<compile_context>
chip_gen: v7x
topology: tpu7x:2x2x1
jax: 0.10.2.dev20260603
libtpu: 0.0.44.dev20260713+nightly
codegen_flags: <defaults>
</compile_context>

<pallas_src>
import functools

import jax
import jax.numpy as jnp
from jax import lax
from jax.experimental import pallas as pl
from jax.experimental.pallas import tpu as pltpu
from jax.experimental.pallas import tpu_sc as plsc

_CH = 128


@functools.lru_cache(maxsize=None)
def _build(S0, S1, V, D):
    info = plsc.get_sparse_core_info()
    nw = info.num_cores * info.num_subcores
    B = S0 * S1
    b_per_w = B // nw
    n_ch = b_per_w // _CH
    w_per_row = S1 // b_per_w
    assert b_per_w * nw == B and n_ch * _CH == b_per_w
    assert w_per_row * b_per_w == S1

    mesh = plsc.VectorSubcoreMesh(core_axis_name="c", subcore_axis_name="s")

    nbuf = 6
    depth = 4

    @functools.partial(
        pl.kernel,
        mesh=mesh,
        out_type=jax.ShapeDtypeStruct((S0, S1, D), jnp.float32),
        scratch_types=[
            pltpu.VMEM((b_per_w,), jnp.int32),
            pltpu.VMEM_SHARED((V, D), jnp.float32),
        ]
        + [pltpu.VMEM((_CH, D), jnp.float32) for _ in range(nbuf)]
        + [pltpu.SemaphoreType.DMA for _ in range(2 * nbuf)],
    )
    def gather_kernel(idx_hbm, table_hbm, out_hbm, idx_v, table_sh, *scratch):
        bufs = scratch[:nbuf]
        gsems = scratch[nbuf : 2 * nbuf]
        ssems = scratch[2 * nbuf :]
        sid = lax.axis_index("s")
        wid = sid * info.num_cores + lax.axis_index("c")
        row = wid // w_per_row
        col = (wid % w_per_row) * b_per_w
        @pl.when(sid == 0)
        def _():
            pltpu.sync_copy(table_hbm, table_sh)

        pltpu.sync_copy(idx_hbm.at[row, pl.ds(col, b_per_w)], idx_v)
        plsc.subcore_barrier()

        def gather(j):
            return pltpu.async_copy(
                table_sh.at[idx_v.at[pl.ds(j * _CH, _CH)]],
                bufs[j % nbuf],
                gsems[j % nbuf],
            )

        gathers = [None] * n_ch
        scatters = [None] * n_ch
        for j in range(min(depth, n_ch)):
            gathers[j] = gather(j)
        for j in range(n_ch):
            gathers[j].wait()
            scatters[j] = pltpu.async_copy(
                bufs[j % nbuf],
                out_hbm.at[row, pl.ds(col + j * _CH, _CH), :],
                ssems[j % nbuf],
            )
            k = j + depth
            if k < n_ch:
                if k >= nbuf:
                    scatters[k - nbuf].wait()
                    scatters[k - nbuf] = None
                gathers[k] = gather(k)
        for j in range(n_ch):
            if scatters[j] is not None:
                scatters[j].wait()

    return gather_kernel


def kernel(pinyin_ids, table):
    s0, s1 = pinyin_ids.shape
    V, D = table.shape
    return _build(s0, s1, V, D)(pinyin_ids, table)

# --- scband reference (transcript-rebuilt; emitter-appended) ---
"""Pipeline reference for scband-pinyin-cnnembedding-15917148799155 (READ-ONLY COPY).

The authoritative reference and input builder live on the scoring server;
editing this copy changes nothing except your own understanding.
"""

import jax, jax.numpy as jnp
import numpy as np

VOCAB = 1109
EMBED_DIM = 128


def setup_inputs(seed: int = 0) -> dict:
    key = jax.random.key(seed)
    k_ids, k_tab = jax.random.split(key)
    pinyin_ids = jax.random.randint(k_ids, (4, 8192), 0, VOCAB, dtype=jnp.int32)
    # nn.Embedding weight, init_weight(): normal_(0.0, 0.02)
    table = jax.random.normal(k_tab, (VOCAB, EMBED_DIM), dtype=jnp.float32) * 0.02
    return {"pinyin_ids": pinyin_ids, "table": table}


def reference(pinyin_ids, table):
    # forward: embed = self.embedding(pinyin_ids); return embed
    # (the conv layer exists in __init__ but is unused in forward)
    embed = jnp.take(table, pinyin_ids, axis=0)
    return embed

if __name__ == "__main__":
    import jax
    _d = setup_inputs()
    print(jax.jit(kernel)(*tuple(_d.values())))

</pallas_src>

<mosaic_0001>
#map = affine_map<(d0, d1) -> (0, 0)>
#map1 = affine_map<(d0, d1) -> (0, 0, 0)>
module attributes {stable_mosaic.version = 14 : i64} {
  func.func @gather_kernel(%arg0: i32, %arg1: i32, %arg2: memref<4x8192xi32, #tpu.memory_space<hbm>>, %arg3: memref<1109x128xf32, #tpu.memory_space<hbm>>, %arg4: memref<4x8192x128xf32, #tpu.memory_space<hbm>>, %arg5: memref<1024xi32, #tpu.memory_space<vmem>>, %arg6: memref<1109x128xf32, #tpu.memory_space<vmem_shared>>, %arg7: memref<128x128xf32, #tpu.memory_space<vmem>>, %arg8: memref<128x128xf32, #tpu.memory_space<vmem>>, %arg9: memref<128x128xf32, #tpu.memory_space<vmem>>, %arg10: memref<128x128xf32, #tpu.memory_space<vmem>>, %arg11: memref<128x128xf32, #tpu.memory_space<vmem>>, %arg12: memref<128x128xf32, #tpu.memory_space<vmem>>, %arg13: memref<!tpu.dma_semaphore, #tpu.memory_space<semaphore_mem>>, %arg14: memref<!tpu.dma_semaphore, #tpu.memory_space<semaphore_mem>>, %arg15: memref<!tpu.dma_semaphore, #tpu.memory_space<semaphore_mem>>, %arg16: memref<!tpu.dma_semaphore, #tpu.memory_space<semaphore_mem>>, %arg17: memref<!tpu.dma_semaphore, #tpu.memory_space<semaphore_mem>>, %arg18: memref<!tpu.dma_semaphore, #tpu.memory_space<semaphore_mem>>, %arg19: memref<!tpu.dma_semaphore, #tpu.memory_space<semaphore_mem>>, %arg20: memref<!tpu.dma_semaphore, #tpu.memory_space<semaphore_mem>>, %arg21: memref<!tpu.dma_semaphore, #tpu.memory_space<semaphore_mem>>, %arg22: memref<!tpu.dma_semaphore, #tpu.memory_space<semaphore_mem>>, %arg23: memref<!tpu.dma_semaphore, #tpu.memory_space<semaphore_mem>>, %arg24: memref<!tpu.dma_semaphore, #tpu.memory_space<semaphore_mem>>) attributes {dimension_semantics = [#tpu.dimension_semantics<core_parallel>, #tpu.dimension_semantics<subcore_parallel>], iteration_bounds = array<i64: 2, 16>, scalar_prefetch = 0 : i64, scratch_operands = 20 : i64, tpu.core_type = #tpu.core_type<sc_vector_subcore>, window_params = [{transform_indices = #map}, {transform_indices = #map}, {transform_indices = #map1}]} {
    %mul3A = arith.constant 2 : i32
    %mul3A_0 = arith.muli %arg1, %mul3A : i32
    %add3A = arith.addi %mul3A_0, %arg0 : i32
    %jit3A = arith.constant 8 : i32
    %div3A = arith.divsi %add3A, %jit3A : i32
    %sign3A = arith.constant 0 : i32
    %sign3A_1 = arith.cmpi sgt, %add3A, %sign3A : i32
    %sign3A_2 = arith.extui %sign3A_1 : i1 to i32
    %sign3A_3 = arith.constant 0 : i32
    %sign3A_4 = arith.cmpi slt, %add3A, %sign3A_3 : i32
    %sign3A_5 = arith.extui %sign3A_4 : i1 to i32
    %sign3A_6 = arith.subi %sign3A_2, %sign3A_5 : i32
    %sign3A_7 = arith.constant 0 : i32
    %sign3A_8 = arith.cmpi sgt, %jit3A, %sign3A_7 : i32
    %sign3A_9 = arith.extui %sign3A_8 : i1 to i32
    %sign3A_10 = arith.constant 0 : i32
    %sign3A_11 = arith.cmpi slt, %jit3A, %sign3A_10 : i32
    %sign3A_12 = arith.extui %sign3A_11 : i1 to i32
    %sign3A_13 = arith.subi %sign3A_9, %sign3A_12 : i32
    %ne3A = arith.cmpi ne, %sign3A_6, %sign3A_13 : i32
    %rem3A = arith.remsi %add3A, %jit3A : i32
    %ne3A_14 = arith.constant 0 : i32
    %ne3A_15 = arith.cmpi ne, %rem3A, %ne3A_14 : i32
    %and3A = arith.andi %ne3A, %ne3A_15 : i1
    %sub3A = arith.constant 1 : i32
    %sub3A_16 = arith.subi %div3A, %sub3A : i32
    %select_n3A = arith.select %and3A, %sub3A_16, %div3A : i32
    %jit3A_17 = arith.constant 8 : i32
    %eq3A = arith.constant 0 : i32
    %eq3A_18 = arith.cmpi eq, %jit3A_17, %eq3A : i32
    %jit3A_19 = arith.constant 1 : i32
    %select_n3A_20 = arith.select %eq3A_18, %jit3A_19, %jit3A_17 : i32
    %rem3A_21 = arith.remsi %add3A, %select_n3A_20 : i32
    %ne3A_22 = arith.constant 0 : i32
    %ne3A_23 = arith.cmpi ne, %rem3A_21, %ne3A_22 : i32
    %lt3A = arith.constant 0 : i32
    %lt3A_24 = arith.cmpi slt, %rem3A_21, %lt3A : i32
    %lt3A_25 = arith.constant 0 : i32
    %lt3A_26 = arith.cmpi slt, %select_n3A_20, %lt3A_25 : i32
    %ne3A_27 = arith.xori %lt3A_24, %lt3A_26 : i1
    %and3A_28 = arith.andi %ne3A_27, %ne3A_23 : i1
    %add3A_29 = arith.addi %rem3A_21, %select_n3A_20 : i32
    %select_n3A_30 = arith.select %and3A_28, %add3A_29, %rem3A_21 : i32
    %mul3A_31 = arith.constant 1024 : i32
    %mul3A_32 = arith.muli %select_n3A_30, %mul3A_31 : i32
    %eq3A_33 = arith.constant 0 : i32
    %eq3A_34 = arith.cmpi eq, %arg1, %eq3A_33 : i32
    %convert_element_type3A = arith.extui %eq3A_34 : i1 to i32
    %cond3A = arith.constant 0 : i32
    %cond3A_35 = arith.cmpi ne, %convert_element_type3A, %cond3A : i32
    scf.if %cond3A_35 {
      "tpu.region"() ({
        %run_scoped3A = tpu.sem_alloc : memref<!tpu.dma_semaphore, #tpu.memory_space<semaphore_mem>>
        tpu.enqueue_dma source(%arg3 : memref<1109x128xf32, #tpu.memory_space<hbm>>) target(%arg6 : memref<1109x128xf32, #tpu.memory_space<vmem_shared>>) target_semaphore(%run_scoped3A : memref<!tpu.dma_semaphore, #tpu.memory_space<semaphore_mem>>)
        tpu.wait_dma2 semaphore(%run_scoped3A : memref<!tpu.dma_semaphore, #tpu.memory_space<semaphore_mem>>) src(%arg3 : memref<1109x128xf32, #tpu.memory_space<hbm>>) dst(%arg6 : memref<1109x128xf32, #tpu.memory_space<vmem_shared>>)
        tpu.yield
      }) : () -> ()
    } else {
    }
    "tpu.region"() ({
      %run_scoped3A = tpu.sem_alloc : memref<!tpu.dma_semaphore, #tpu.memory_space<semaphore_mem>>
      %dma_start3A_226 = tpu.memref_slice %arg2[%select_n3A, %mul3A_32] : memref<4x8192xi32, #tpu.memory_space<hbm>> -> memref<1x1024xi32, #tpu.memory_space<hbm>>
      %dma_start3A_227 = tpu.memref_squeeze %dma_start3A_226 : memref<1x1024xi32, #tpu.memory_space<hbm>> -> memref<1024xi32, #tpu.memory_space<hbm>>
      %dma_start3A_228 = tpu.memref_slice %arg2[%select_n3A, %mul3A_32] : memref<4x8192xi32, #tpu.memory_space<hbm>> -> memref<1x1024xi32, #tpu.memory_space<hbm>>
      %dma_start3A_229 = tpu.memref_squeeze %dma_start3A_228 : memref<1x1024xi32, #tpu.memory_space<hbm>> -> memref<1024xi32, #tpu.memory_space<hbm>>
      tpu.enqueue_dma source(%dma_start3A_229 : memref<1024xi32, #tpu.memory_space<hbm>>) target(%arg5 : memref<1024xi32, #tpu.memory_space<vmem>>) target_semaphore(%run_scoped3A : memref<!tpu.dma_semaphore, #tpu.memory_space<semaphore_mem>>)
      %dma_wait3A_230 = tpu.memref_slice %arg2[%select_n3A, %mul3A_32] : memref<4x8192xi32, #tpu.memory_space<hbm>> -> memref<1x1024xi32, #tpu.memory_space<hbm>>
      %dma_wait3A_231 = tpu.memref_squeeze %dma_wait3A_230 : memref<1x1024xi32, #tpu.memory_space<hbm>> -> memref<1024xi32, #tpu.memory_space<hbm>>
      %dma_wait3A_232 = tpu.memref_slice %arg2[%select_n3A, %mul3A_32] : memref<4x8192xi32, #tpu.memory_space<hbm>> -> memref<1x1024xi32, #tpu.memory_space<hbm>>
      %dma_wait3A_233 = tpu.memref_squeeze %dma_wait3A_232 : memref<1x1024xi32, #tpu.memory_space<hbm>> -> memref<1024xi32, #tpu.memory_space<hbm>>
      tpu.wait_dma2 semaphore(%run_scoped3A : memref<!tpu.dma_semaphore, #tpu.memory_space<semaphore_mem>>) src(%dma_wait3A_233 : memref<1024xi32, #tpu.memory_space<hbm>>) dst(%arg5 : memref<1024xi32, #tpu.memory_space<vmem>>)
      tpu.yield
    }) : () -> ()
    %barrier3A = arith.constant 0 : index
    tpu.barrier barrier_id(%barrier3A)
    %dma_start3A = arith.constant 0 : i32
    %dma_start3A_36 = tpu.memref_slice %arg5[%dma_start3A] : memref<1024xi32, #tpu.memory_space<vmem>> -> memref<128xi32, #tpu.memory_space<vmem>>
    %dma_start3A_37 = arith.constant 0 : i32
    %dma_start3A_38 = arith.constant 0 : i32
    %dma_start3A_39 = tpu.memref_slice %arg6[%dma_start3A_37, %dma_start3A_38] : memref<1109x128xf32, #tpu.memory_space<vmem_shared>> -> memref<1109x128xf32, #tpu.memory_space<vmem_shared>>
    tpu.enqueue_indirect_dma source(%dma_start3A_39 : memref<1109x128xf32, #tpu.memory_space<vmem_shared>>) target(%arg7 : memref<128x128xf32, #tpu.memory_space<vmem>>) offsets(%dma_start3A_36 : memref<128xi32, #tpu.memory_space<vmem>>) semaphore(%arg13 : memref<!tpu.dma_semaphore, #tpu.memory_space<semaphore_mem>>)
    %dma_start3A_40 = arith.constant 128 : i32
    %dma_start3A_41 = tpu.memref_slice %arg5[%dma_start3A_40] : memref<1024xi32, #tpu.memory_space<vmem>> -> memref<128xi32, #tpu.memory_space<vmem>>
    %dma_start3A_42 = arith.constant 0 : i32
    %dma_start3A_43 = arith.constant 0 : i32
    %dma_start3A_44 = tpu.memref_slice %arg6[%dma_start3A_42, %dma_start3A_43] : memref<1109x128xf32, #tpu.memory_space<vmem_shared>> -> memref<1109x128xf32, #tpu.memory_space<vmem_shared>>
    tpu.enqueue_indirect_dma source(%dma_start3A_44 : memref<1109x128xf32, #tpu.memory_space<vmem_shared>>) target(%arg8 : memref<128x128xf32, #tpu.memory_space<vmem>>) offsets(%dma_start3A_41 : memref<128xi32, #tpu.memory_space<vmem>>) semaphore(%arg14 : memref<!tpu.dma_semaphore, #tpu.memory_space<semaphore_mem>>)
    %dma_start3A_45 = arith.constant 256 : i32
    %dma_start3A_46 = tpu.memref_slice %arg5[%dma_start3A_45] : memref<1024xi32, #tpu.memory_space<vmem>> -> memref<128xi32, #tpu.memory_space<vmem>>
    %dma_start3A_47 = arith.constant 0 : i32
    %dma_start3A_48 = arith.constant 0 : i32
    %dma_start3A_49 = tpu.memref_slice %arg6[%dma_start3A_47, %dma_start3A_48] : memref<1109x128xf32, #tpu.memory_space<vmem_shared>> -> memref<1109x128xf32, #tpu.memory_space<vmem_shared>>
    tpu.enqueue_indirect_dma source(%dma_start3A_49 : memref<1109x128xf32, #tpu.memory_space<vmem_shared>>) target(%arg9 : memref<128x128xf32, #tpu.memory_space<vmem>>) offsets(%dma_start3A_46 : memref<128xi32, #tpu.memory_space<vmem>>) semaphore(%arg15 : memref<!tpu.dma_semaphore, #tpu.memory_space<semaphore_mem>>)
    %dma_start3A_50 = arith.constant 384 : i32
    %dma_start3A_51 = tpu.memref_slice %arg5[%dma_start3A_50] : memref<1024xi32, #tpu.memory_space<vmem>> -> memref<128xi32, #tpu.memory_space<vmem>>
    %dma_start3A_52 = arith.constant 0 : i32
    %dma_start3A_53 = arith.constant 0 : i32
    %dma_start3A_54 = tpu.memref_slice %arg6[%dma_start3A_52, %dma_start3A_53] : memref<1109x128xf32, #tpu.memory_space<vmem_shared>> -> memref<1109x128xf32, #tpu.memory_space<vmem_shared>>
    tpu.enqueue_indirect_dma source(%dma_start3A_54 : memref<1109x128xf32, #tpu.memory_space<vmem_shared>>) target(%arg10 : memref<128x128xf32, #tpu.memory_space<vmem>>) offsets(%dma_start3A_51 : memref<128xi32, #tpu.memory_space<vmem>>) semaphore(%arg16 : memref<!tpu.dma_semaphore, #tpu.memory_space<semaphore_mem>>)
    %dma_wait3A = arith.constant 0 : i32
    %dma_wait3A_55 = tpu.memref_slice %arg5[%dma_wait3A] : memref<1024xi32, #tpu.memory_space<vmem>> -> memref<128xi32, #tpu.memory_space<vmem>>
    %dma_wait3A_56 = arith.constant 0 : i32
    %dma_wait3A_57 = arith.constant 0 : i32
    %dma_wait3A_58 = tpu.memref_slice %arg6[%dma_wait3A_56, %dma_wait3A_57] : memref<1109x128xf32, #tpu.memory_space<vmem_shared>> -> memref<1109x128xf32, #tpu.memory_space<vmem_shared>>
    tpu.wait_indirect_dma semaphore(%arg13 : memref<!tpu.dma_semaphore, #tpu.memory_space<semaphore_mem>>) src(%dma_wait3A_58 : memref<1109x128xf32, #tpu.memory_space<vmem_shared>>) dst(%arg7 : memref<128x128xf32, #tpu.memory_space<vmem>>)
    %add3A_59 = arith.constant 0 : i32
    %add3A_60 = arith.addi %mul3A_32, %add3A_59 : i32
    %dma_start3A_61 = arith.constant 0 : i32
    %dma_start3A_62 = tpu.memref_slice %arg4[%select_n3A, %add3A_60, %dma_start3A_61] : memref<4x8192x128xf32, #tpu.memory_space<hbm>> -> memref<1x128x128xf32, #tpu.memory_space<hbm>>
    %dma_start3A_63 = tpu.memref_squeeze %dma_start3A_62 : memref<1x128x128xf32, #tpu.memory_space<hbm>> -> memref<128x128xf32, #tpu.memory_space<hbm>>
    %dma_start3A_64 = arith.constant 0 : i32
    %dma_start3A_65 = tpu.memref_slice %arg4[%select_n3A, %add3A_60, %dma_start3A_64] : memref<4x8192x128xf32, #tpu.memory_space<hbm>> -> memref<1x128x128xf32, #tpu.memory_space<hbm>>
    %dma_start3A_66 = tpu.memref_squeeze %dma_start3A_65 : memref<1x128x128xf32, #tpu.memory_space<hbm>> -> memref<128x128xf32, #tpu.memory_space<hbm>>
    tpu.enqueue_dma source(%arg7 : memref<128x128xf32, #tpu.memory_space<vmem>>) target(%dma_start3A_66 : memref<128x128xf32, #tpu.memory_space<hbm>>) target_semaphore(%arg19 : memref<!tpu.dma_semaphore, #tpu.memory_space<semaphore_mem>>)
    %dma_start3A_67 = arith.constant 512 : i32
    %dma_start3A_68 = tpu.memref_slice %arg5[%dma_start3A_67] : memref<1024xi32, #tpu.memory_space<vmem>> -> memref<128xi32, #tpu.memory_space<vmem>>
    %dma_start3A_69 = arith.constant 0 : i32
    %dma_start3A_70 = arith.constant 0 : i32
    %dma_start3A_71 = tpu.memref_slice %arg6[%dma_start3A_69, %dma_start3A_70] : memref<1109x128xf32, #tpu.memory_space<vmem_shared>> -> memref<1109x128xf32, #tpu.memory_space<vmem_shared>>
    tpu.enqueue_indirect_dma source(%dma_start3A_71 : memref<1109x128xf32, #tpu.memory_space<vmem_shared>>) target(%arg11 : memref<128x128xf32, #tpu.memory_space<vmem>>) offsets(%dma_start3A_68 : memref<128xi32, #tpu.memory_space<vmem>>) semaphore(%arg17 : memref<!tpu.dma_semaphore, #tpu.memory_space<semaphore_mem>>)
    %dma_wait3A_72 = arith.constant 128 : i32
    %dma_wait3A_73 = tpu.memref_slice %arg5[%dma_wait3A_72] : memref<1024xi32, #tpu.memory_space<vmem>> -> memref<128xi32, #tpu.memory_space<vmem>>
    %dma_wait3A_74 = arith.constant 0 : i32
    %dma_wait3A_75 = arith.constant 0 : i32
    %dma_wait3A_76 = tpu.memref_slice %arg6[%dma_wait3A_74, %dma_wait3A_75] : memref<1109x128xf32, #tpu.memory_space<vmem_shared>> -> memref<1109x128xf32, #tpu.memory_space<vmem_shared>>
    tpu.wait_indirect_dma semaphore(%arg14 : memref<!tpu.dma_semaphore, #tpu.memory_space<semaphore_mem>>) src(%dma_wait3A_76 : memref<1109x128xf32, #tpu.memory_space<vmem_shared>>) dst(%arg8 : memref<128x128xf32, #tpu.memory_space<vmem>>)
    %add3A_77 = arith.constant 128 : i32
    %add3A_78 = arith.addi %mul3A_32, %add3A_77 : i32
    %dma_start3A_79 = arith.constant 0 : i32
    %dma_start3A_80 = tpu.memref_slice %arg4[%select_n3A, %add3A_78, %dma_start3A_79] : memref<4x8192x128xf32, #tpu.memory_space<hbm>> -> memref<1x128x128xf32, #tpu.memory_space<hbm>>
    %dma_start3A_81 = tpu.memref_squeeze %dma_start3A_80 : memref<1x128x128xf32, #tpu.memory_space<hbm>> -> memref<128x128xf32, #tpu.memory_space<hbm>>
    %dma_start3A_82 = arith.constant 0 : i32
    %dma_start3A_83 = tpu.memref_slice %arg4[%select_n3A, %add3A_78, %dma_start3A_82] : memref<4x8192x128xf32, #tpu.memory_space<hbm>> -> memref<1x128x128xf32, #tpu.memory_space<hbm>>
    %dma_start3A_84 = tpu.memref_squeeze %dma_start3A_83 : memref<1x128x128xf32, #tpu.memory_space<hbm>> -> memref<128x128xf32, #tpu.memory_space<hbm>>
    tpu.enqueue_dma source(%arg8 : memref<128x128xf32, #tpu.memory_space<vmem>>) target(%dma_start3A_84 : memref<128x128xf32, #tpu.memory_space<hbm>>) target_semaphore(%arg20 : memref<!tpu.dma_semaphore, #tpu.memory_space<semaphore_mem>>)
    %dma_start3A_85 = arith.constant 640 : i32
    %dma_start3A_86 = tpu.memref_slice %arg5[%dma_start3A_85] : memref<1024xi32, #tpu.memory_space<vmem>> -> memref<128xi32, #tpu.memory_space<vmem>>
    %dma_start3A_87 = arith.constant 0 : i32
    %dma_start3A_88 = arith.constant 0 : i32
    %dma_start3A_89 = tpu.memref_slice %arg6[%dma_start3A_87, %dma_start3A_88] : memref<1109x128xf32, #tpu.memory_space<vmem_shared>> -> memref<1109x128xf32, #tpu.memory_space<vmem_shared>>
    tpu.enqueue_indirect_dma source(%dma_start3A_89 : memref<1109x128xf32, #tpu.memory_space<vmem_shared>>) target(%arg12 : memref<128x128xf32, #tpu.memory_space<vmem>>) offsets(%dma_start3A_86 : memref<128xi32, #tpu.memory_space<vmem>>) semaphore(%arg18 : memref<!tpu.dma_semaphore, #tpu.memory_space<semaphore_mem>>)
    %dma_wait3A_90 = arith.constant 256 : i32
    %dma_wait3A_91 = tpu.memref_slice %arg5[%dma_wait3A_90] : memref<1024xi32, #tpu.memory_space<vmem>> -> memref<128xi32, #tpu.memory_space<vmem>>
    %dma_wait3A_92 = arith.constant 0 : i32
    %dma_wait3A_93 = arith.constant 0 : i32
    %dma_wait3A_94 = tpu.memref_slice %arg6[%dma_wait3A_92, %dma_wait3A_93] : memref<1109x128xf32, #tpu.memory_space<vmem_shared>> -> memref<1109x128xf32, #tpu.memory_space<vmem_shared>>
    tpu.wait_indirect_dma semaphore(%arg15 : memref<!tpu.dma_semaphore, #tpu.memory_space<semaphore_mem>>) src(%dma_wait3A_94 : memref<1109x128xf32, #tpu.memory_space<vmem_shared>>) dst(%arg9 : memref<128x128xf32, #tpu.memory_space<vmem>>)
    %add3A_95 = arith.constant 256 : i32
    %add3A_96 = arith.addi %mul3A_32, %add3A_95 : i32
    %dma_start3A_97 = arith.constant 0 : i32
    %dma_start3A_98 = tpu.memref_slice %arg4[%select_n3A, %add3A_96, %dma_start3A_97] : memref<4x8192x128xf32, #tpu.memory_space<hbm>> -> memref<1x128x128xf32, #tpu.memory_space<hbm>>
    %dma_start3A_99 = tpu.memref_squeeze %dma_start3A_98 : memref<1x128x128xf32, #tpu.memory_space<hbm>> -> memref<128x128xf32, #tpu.memory_space<hbm>>
    %dma_start3A_100 = arith.constant 0 : i32
    %dma_start3A_101 = tpu.memref_slice %arg4[%select_n3A, %add3A_96, %dma_start3A_100] : memref<4x8192x128xf32, #tpu.memory_space<hbm>> -> memref<1x128x128xf32, #tpu.memory_space<hbm>>
    %dma_start3A_102 = tpu.memref_squeeze %dma_start3A_101 : memref<1x128x128xf32, #tpu.memory_space<hbm>> -> memref<128x128xf32, #tpu.memory_space<hbm>>
    tpu.enqueue_dma source(%arg9 : memref<128x128xf32, #tpu.memory_space<vmem>>) target(%dma_start3A_102 : memref<128x128xf32, #tpu.memory_space<hbm>>) target_semaphore(%arg21 : memref<!tpu.dma_semaphore, #tpu.memory_space<semaphore_mem>>)
    %dma_wait3A_103 = arith.constant 0 : i32
    %dma_wait3A_104 = tpu.memref_slice %arg4[%select_n3A, %add3A_60, %dma_wait3A_103] : memref<4x8192x128xf32, #tpu.memory_space<hbm>> -> memref<1x128x128xf32, #tpu.memory_space<hbm>>
    %dma_wait3A_105 = tpu.memref_squeeze %dma_wait3A_104 : memref<1x128x128xf32, #tpu.memory_space<hbm>> -> memref<128x128xf32, #tpu.memory_space<hbm>>
    %dma_wait3A_106 = arith.constant 0 : i32
    %dma_wait3A_107 = tpu.memref_slice %arg4[%select_n3A, %add3A_60, %dma_wait3A_106] : memref<4x8192x128xf32, #tpu.memory_space<hbm>> -> memref<1x128x128xf32, #tpu.memory_space<hbm>>
    %dma_wait3A_108 = tpu.memref_squeeze %dma_wait3A_107 : memref<1x128x128xf32, #tpu.memory_space<hbm>> -> memref<128x128xf32, #tpu.memory_space<hbm>>
    tpu.wait_dma2 semaphore(%arg19 : memref<!tpu.dma_semaphore, #tpu.memory_space<semaphore_mem>>) src(%arg7 : memref<128x128xf32, #tpu.memory_space<vmem>>) dst(%dma_wait3A_108 : memref<128x128xf32, #tpu.memory_space<hbm>>)
    %dma_start3A_109 = arith.constant 768 : i32
    %dma_start3A_110 = tpu.memref_slice %arg5[%dma_start3A_109] : memref<1024xi32, #tpu.memory_space<vmem>> -> memref<128xi32, #tpu.memory_space<vmem>>
    %dma_start3A_111 = arith.constant 0 : i32
    %dma_start3A_112 = arith.constant 0 : i32
    %dma_start3A_113 = tpu.memref_slice %arg6[%dma_start3A_111, %dma_start3A_112] : memref<1109x128xf32, #tpu.memory_space<vmem_shared>> -> memref<1109x128xf32, #tpu.memory_space<vmem_shared>>
    tpu.enqueue_indirect_dma source(%dma_start3A_113 : memref<1109x128xf32, #tpu.memory_space<vmem_shared>>) target(%arg7 : memref<128x128xf32, #tpu.memory_space<vmem>>) offsets(%dma_start3A_110 : memref<128xi32, #tpu.memory_space<vmem>>) semaphore(%arg13 : memref<!tpu.dma_semaphore, #tpu.memory_space<semaphore_mem>>)
    %dma_wait3A_114 = arith.constant 384 : i32
    %dma_wait3A_115 = tpu.memref_slice %arg5[%dma_wait3A_114] : memref<1024xi32, #tpu.memory_space<vmem>> -> memref<128xi32, #tpu.memory_space<vmem>>
    %dma_wait3A_116 = arith.constant 0 : i32
    %dma_wait3A_117 = arith.constant 0 : i32
    %dma_wait3A_118 = tpu.memref_slice %arg6[%dma_wait3A_116, %dma_wait3A_117] : memref<1109x128xf32, #tpu.memory_space<vmem_shared>> -> memref<1109x128xf32, #tpu.memory_space<vmem_shared>>
    tpu.wait_indirect_dma semaphore(%arg16 : memref<!tpu.dma_semaphore, #tpu.memory_space<semaphore_mem>>) src(%dma_wait3A_118 : memref<1109x128xf32, #tpu.memory_space<vmem_shared>>) dst(%arg10 : memref<128x128xf32, #tpu.memory_space<vmem>>)
    %add3A_119 = arith.constant 384 : i32
    %add3A_120 = arith.addi %mul3A_32, %add3A_119 : i32
    %dma_start3A_121 = arith.constant 0 : i32
    %dma_start3A_122 = tpu.memref_slice %arg4[%select_n3A, %add3A_120, %dma_start3A_121] : memref<4x8192x128xf32, #tpu.memory_space<hbm>> -> memref<1x128x128xf32, #tpu.memory_space<hbm>>
    %dma_start3A_123 = tpu.memref_squeeze %dma_start3A_122 : memref<1x128x128xf32, #tpu.memory_space<hbm>> -> memref<128x128xf32, #tpu.memory_space<hbm>>
    %dma_start3A_124 = arith.constant 0 : i32
    %dma_start3A_125 = tpu.memref_slice %arg4[%select_n3A, %add3A_120, %dma_start3A_124] : memref<4x8192x128xf32, #tpu.memory_space<hbm>> -> memref<1x128x128xf32, #tpu.memory_space<hbm>>
    %dma_start3A_126 = tpu.memref_squeeze %dma_start3A_125 : memref<1x128x128xf32, #tpu.memory_space<hbm>> -> memref<128x128xf32, #tpu.memory_space<hbm>>
    tpu.enqueue_dma source(%arg10 : memref<128x128xf32, #tpu.memory_space<vmem>>) target(%dma_start3A_126 : memref<128x128xf32, #tpu.memory_space<hbm>>) target_semaphore(%arg22 : memref<!tpu.dma_semaphore, #tpu.memory_space<semaphore_mem>>)
    %dma_wait3A_127 = arith.constant 0 : i32
    %dma_wait3A_128 = tpu.memref_slice %arg4[%select_n3A, %add3A_78, %dma_wait3A_127] : memref<4x8192x128xf32, #tpu.memory_space<hbm>> -> memref<1x128x128xf32, #tpu.memory_space<hbm>>
    %dma_wait3A_129 = tpu.memref_squeeze %dma_wait3A_128 : memref<1x128x128xf32, #tpu.memory_space<hbm>> -> memref<128x128xf32, #tpu.memory_space<hbm>>
    %dma_wait3A_130 = arith.constant 0 : i32
    %dma_wait3A_131 = tpu.memref_slice %arg4[%select_n3A, %add3A_78, %dma_wait3A_130] : memref<4x8192x128xf32, #tpu.memory_space<hbm>> -> memref<1x128x128xf32, #tpu.memory_space<hbm>>
    %dma_wait3A_132 = tpu.memref_squeeze %dma_wait3A_131 : memref<1x128x128xf32, #tpu.memory_space<hbm>> -> memref<128x128xf32, #tpu.memory_space<hbm>>
    tpu.wait_dma2 semaphore(%arg20 : memref<!tpu.dma_semaphore, #tpu.memory_space<semaphore_mem>>) src(%arg8 : memref<128x128xf32, #tpu.memory_space<vmem>>) dst(%dma_wait3A_132 : memref<128x128xf32, #tpu.memory_space<hbm>>)
    %dma_start3A_133 = arith.constant 896 : i32
    %dma_start3A_134 = tpu.memref_slice %arg5[%dma_start3A_133] : memref<1024xi32, #tpu.memory_space<vmem>> -> memref<128xi32, #tpu.memory_space<vmem>>
    %dma_start3A_135 = arith.constant 0 : i32
    %dma_start3A_136 = arith.constant 0 : i32
    %dma_start3A_137 = tpu.memref_slice %arg6[%dma_start3A_135, %dma_start3A_136] : memref<1109x128xf32, #tpu.memory_space<vmem_shared>> -> memref<1109x128xf32, #tpu.memory_space<vmem_shared>>
    tpu.enqueue_indirect_dma source(%dma_start3A_137 : memref<1109x128xf32, #tpu.memory_space<vmem_shared>>) target(%arg8 : memref<128x128xf32, #tpu.memory_space<vmem>>) offsets(%dma_start3A_134 : memref<128xi32, #tpu.memory_space<vmem>>) semaphore(%arg14 : memref<!tpu.dma_semaphore, #tpu.memory_space<semaphore_mem>>)
    %dma_wait3A_138 = arith.constant 512 : i32
    %dma_wait3A_139 = tpu.memref_slice %arg5[%dma_wait3A_138] : memref<1024xi32, #tpu.memory_space<vmem>> -> memref<128xi32, #tpu.memory_space<vmem>>
    %dma_wait3A_140 = arith.constant 0 : i32
    %dma_wait3A_141 = arith.constant 0 : i32
    %dma_wait3A_142 = tpu.memref_slice %arg6[%dma_wait3A_140, %dma_wait3A_141] : memref<1109x128xf32, #tpu.memory_space<vmem_shared>> -> memref<1109x128xf32, #tpu.memory_space<vmem_shared>>
    tpu.wait_indirect_dma semaphore(%arg17 : memref<!tpu.dma_semaphore, #tpu.memory_space<semaphore_mem>>) src(%dma_wait3A_142 : memref<1109x128xf32, #tpu.memory_space<vmem_shared>>) dst(%arg11 : memref<128x128xf32, #tpu.memory_space<vmem>>)
    %add3A_143 = arith.constant 512 : i32
    %add3A_144 = arith.addi %mul3A_32, %add3A_143 : i32
    %dma_start3A_145 = arith.constant 0 : i32
    %dma_start3A_146 = tpu.memref_slice %arg4[%select_n3A, %add3A_144, %dma_start3A_145] : memref<4x8192x128xf32, #tpu.memory_space<hbm>> -> memref<1x128x128xf32, #tpu.memory_space<hbm>>
    %dma_start3A_147 = tpu.memref_squeeze %dma_start3A_146 : memref<1x128x128xf32, #tpu.memory_space<hbm>> -> memref<128x128xf32, #tpu.memory_space<hbm>>
    %dma_start3A_148 = arith.constant 0 : i32
    %dma_start3A_149 = tpu.memref_slice %arg4[%select_n3A, %add3A_144, %dma_start3A_148] : memref<4x8192x128xf32, #tpu.memory_space<hbm>> -> memref<1x128x128xf32, #tpu.memory_space<hbm>>
    %dma_start3A_150 = tpu.memref_squeeze %dma_start3A_149 : memref<1x128x128xf32, #tpu.memory_space<hbm>> -> memref<128x128xf32, #tpu.memory_space<hbm>>
    tpu.enqueue_dma source(%arg11 : memref<128x128xf32, #tpu.memory_space<vmem>>) target(%dma_start3A_150 : memref<128x128xf32, #tpu.memory_space<hbm>>) target_semaphore(%arg23 : memref<!tpu.dma_semaphore, #tpu.memory_space<semaphore_mem>>)
    %dma_wait3A_151 = arith.constant 640 : i32
    %dma_wait3A_152 = tpu.memref_slice %arg5[%dma_wait3A_151] : memref<1024xi32, #tpu.memory_space<vmem>> -> memref<128xi32, #tpu.memory_space<vmem>>
    %dma_wait3A_153 = arith.constant 0 : i32
    %dma_wait3A_154 = arith.constant 0 : i32
    %dma_wait3A_155 = tpu.memref_slice %arg6[%dma_wait3A_153, %dma_wait3A_154] : memref<1109x128xf32, #tpu.memory_space<vmem_shared>> -> memref<1109x128xf32, #tpu.memory_space<vmem_shared>>
    tpu.wait_indirect_dma semaphore(%arg18 : memref<!tpu.dma_semaphore, #tpu.memory_space<semaphore_mem>>) src(%dma_wait3A_155 : memref<1109x128xf32, #tpu.memory_space<vmem_shared>>) dst(%arg12 : memref<128x128xf32, #tpu.memory_space<vmem>>)
    %add3A_156 = arith.constant 640 : i32
    %add3A_157 = arith.addi %mul3A_32, %add3A_156 : i32
    %dma_start3A_158 = arith.constant 0 : i32
    %dma_start3A_159 = tpu.memref_slice %arg4[%select_n3A, %add3A_157, %dma_start3A_158] : memref<4x8192x128xf32, #tpu.memory_space<hbm>> -> memref<1x128x128xf32, #tpu.memory_space<hbm>>
    %dma_start3A_160 = tpu.memref_squeeze %dma_start3A_159 : memref<1x128x128xf32, #tpu.memory_space<hbm>> -> memref<128x128xf32, #tpu.memory_space<hbm>>
    %dma_start3A_161 = arith.constant 0 : i32
    %dma_start3A_162 = tpu.memref_slice %arg4[%select_n3A, %add3A_157, %dma_start3A_161] : memref<4x8192x128xf32, #tpu.memory_space<hbm>> -> memref<1x128x128xf32, #tpu.memory_space<hbm>>
    %dma_start3A_163 = tpu.memref_squeeze %dma_start3A_162 : memref<1x128x128xf32, #tpu.memory_space<hbm>> -> memref<128x128xf32, #tpu.memory_space<hbm>>
    tpu.enqueue_dma source(%arg12 : memref<128x128xf32, #tpu.memory_space<vmem>>) target(%dma_start3A_163 : memref<128x128xf32, #tpu.memory_space<hbm>>) target_semaphore(%arg24 : memref<!tpu.dma_semaphore, #tpu.memory_space<semaphore_mem>>)
    %dma_wait3A_164 = arith.constant 768 : i32
    %dma_wait3A_165 = tpu.memref_slice %arg5[%dma_wait3A_164] : memref<1024xi32, #tpu.memory_space<vmem>> -> memref<128xi32, #tpu.memory_space<vmem>>
    %dma_wait3A_166 = arith.constant 0 : i32
    %dma_wait3A_167 = arith.constant 0 : i32
    %dma_wait3A_168 = tpu.memref_slice %arg6[%dma_wait3A_166, %dma_wait3A_167] : memref<1109x128xf32, #tpu.memory_space<vmem_shared>> -> memref<1109x128xf32, #tpu.memory_space<vmem_shared>>
    tpu.wait_indirect_dma semaphore(%arg13 : memref<!tpu.dma_semaphore, #tpu.memory_space<semaphore_mem>>) src(%dma_wait3A_168 : memref<1109x128xf32, #tpu.memory_space<vmem_shared>>) dst(%arg7 : memref<128x128xf32, #tpu.memory_space<vmem>>)
    %add3A_169 = arith.constant 768 : i32
    %add3A_170 = arith.addi %mul3A_32, %add3A_169 : i32
    %dma_start3A_171 = arith.constant 0 : i32
    %dma_start3A_172 = tpu.memref_slice %arg4[%select_n3A, %add3A_170, %dma_start3A_171] : memref<4x8192x128xf32, #tpu.memory_space<hbm>> -> memref<1x128x128xf32, #tpu.memory_space<hbm>>
    %dma_start3A_173 = tpu.memref_squeeze %dma_start3A_172 : memref<1x128x128xf32, #tpu.memory_space<hbm>> -> memref<128x128xf32, #tpu.memory_space<hbm>>
    %dma_start3A_174 = arith.constant 0 : i32
    %dma_start3A_175 = tpu.memref_slice %arg4[%select_n3A, %add3A_170, %dma_start3A_174] : memref<4x8192x128xf32, #tpu.memory_space<hbm>> -> memref<1x128x128xf32, #tpu.memory_space<hbm>>
    %dma_start3A_176 = tpu.memref_squeeze %dma_start3A_175 : memref<1x128x128xf32, #tpu.memory_space<hbm>> -> memref<128x128xf32, #tpu.memory_space<hbm>>
    tpu.enqueue_dma source(%arg7 : memref<128x128xf32, #tpu.memory_space<vmem>>) target(%dma_start3A_176 : memref<128x128xf32, #tpu.memory_space<hbm>>) target_semaphore(%arg19 : memref<!tpu.dma_semaphore, #tpu.memory_space<semaphore_mem>>)
    %dma_wait3A_177 = arith.constant 896 : i32
    %dma_wait3A_178 = tpu.memref_slice %arg5[%dma_wait3A_177] : memref<1024xi32, #tpu.memory_space<vmem>> -> memref<128xi32, #tpu.memory_space<vmem>>
    %dma_wait3A_179 = arith.constant 0 : i32
    %dma_wait3A_180 = arith.constant 0 : i32
    %dma_wait3A_181 = tpu.memref_slice %arg6[%dma_wait3A_179, %dma_wait3A_180] : memref<1109x128xf32, #tpu.memory_space<vmem_shared>> -> memref<1109x128xf32, #tpu.memory_space<vmem_shared>>
    tpu.wait_indirect_dma semaphore(%arg14 : memref<!tpu.dma_semaphore, #tpu.memory_space<semaphore_mem>>) src(%dma_wait3A_181 : memref<1109x128xf32, #tpu.memory_space<vmem_shared>>) dst(%arg8 : memref<128x128xf32, #tpu.memory_space<vmem>>)
    %add3A_182 = arith.constant 896 : i32
    %add3A_183 = arith.addi %mul3A_32, %add3A_182 : i32
    %dma_start3A_184 = arith.constant 0 : i32
    %dma_start3A_185 = tpu.memref_slice %arg4[%select_n3A, %add3A_183, %dma_start3A_184] : memref<4x8192x128xf32, #tpu.memory_space<hbm>> -> memref<1x128x128xf32, #tpu.memory_space<hbm>>
    %dma_start3A_186 = tpu.memref_squeeze %dma_start3A_185 : memref<1x128x128xf32, #tpu.memory_space<hbm>> -> memref<128x128xf32, #tpu.memory_space<hbm>>
    %dma_start3A_187 = arith.constant 0 : i32
    %dma_start3A_188 = tpu.memref_slice %arg4[%select_n3A, %add3A_183, %dma_start3A_187] : memref<4x8192x128xf32, #tpu.memory_space<hbm>> -> memref<1x128x128xf32, #tpu.memory_space<hbm>>
    %dma_start3A_189 = tpu.memref_squeeze %dma_start3A_188 : memref<1x128x128xf32, #tpu.memory_space<hbm>> -> memref<128x128xf32, #tpu.memory_space<hbm>>
    tpu.enqueue_dma source(%arg8 : memref<128x128xf32, #tpu.memory_space<vmem>>) target(%dma_start3A_189 : memref<128x128xf32, #tpu.memory_space<hbm>>) target_semaphore(%arg20 : memref<!tpu.dma_semaphore, #tpu.memory_space<semaphore_mem>>)
    %dma_wait3A_190 = arith.constant 0 : i32
    %dma_wait3A_191 = tpu.memref_slice %arg4[%select_n3A, %add3A_96, %dma_wait3A_190] : memref<4x8192x128xf32, #tpu.memory_space<hbm>> -> memref<1x128x128xf32, #tpu.memory_space<hbm>>
    %dma_wait3A_192 = tpu.memref_squeeze %dma_wait3A_191 : memref<1x128x128xf32, #tpu.memory_space<hbm>> -> memref<128x128xf32, #tpu.memory_space<hbm>>
    %dma_wait3A_193 = arith.constant 0 : i32
    %dma_wait3A_194 = tpu.memref_slice %arg4[%select_n3A, %add3A_96, %dma_wait3A_193] : memref<4x8192x128xf32, #tpu.memory_space<hbm>> -> memref<1x128x128xf32, #tpu.memory_space<hbm>>
    %dma_wait3A_195 = tpu.memref_squeeze %dma_wait3A_194 : memref<1x128x128xf32, #tpu.memory_space<hbm>> -> memref<128x128xf32, #tpu.memory_space<hbm>>
    tpu.wait_dma2 semaphore(%arg21 : memref<!tpu.dma_semaphore, #tpu.memory_space<semaphore_mem>>) src(%arg9 : memref<128x128xf32, #tpu.memory_space<vmem>>) dst(%dma_wait3A_195 : memref<128x128xf32, #tpu.memory_space<hbm>>)
    %dma_wait3A_196 = arith.constant 0 : i32
    %dma_wait3A_197 = tpu.memref_slice %arg4[%select_n3A, %add3A_120, %dma_wait3A_196] : memref<4x8192x128xf32, #tpu.memory_space<hbm>> -> memref<1x128x128xf32, #tpu.memory_space<hbm>>
    %dma_wait3A_198 = tpu.memref_squeeze %dma_wait3A_197 : memref<1x128x128xf32, #tpu.memory_space<hbm>> -> memref<128x128xf32, #tpu.memory_space<hbm>>
    %dma_wait3A_199 = arith.constant 0 : i32
    %dma_wait3A_200 = tpu.memref_slice %arg4[%select_n3A, %add3A_120, %dma_wait3A_199] : memref<4x8192x128xf32, #tpu.memory_space<hbm>> -> memref<1x128x128xf32, #tpu.memory_space<hbm>>
    %dma_wait3A_201 = tpu.memref_squeeze %dma_wait3A_200 : memref<1x128x128xf32, #tpu.memory_space<hbm>> -> memref<128x128xf32, #tpu.memory_space<hbm>>
    tpu.wait_dma2 semaphore(%arg22 : memref<!tpu.dma_semaphore, #tpu.memory_space<semaphore_mem>>) src(%arg10 : memref<128x128xf32, #tpu.memory_space<vmem>>) dst(%dma_wait3A_201 : memref<128x128xf32, #tpu.memory_space<hbm>>)
    %dma_wait3A_202 = arith.constant 0 : i32
    %dma_wait3A_203 = tpu.memref_slice %arg4[%select_n3A, %add3A_144, %dma_wait3A_202] : memref<4x8192x128xf32, #tpu.memory_space<hbm>> -> memref<1x128x128xf32, #tpu.memory_space<hbm>>
    %dma_wait3A_204 = tpu.memref_squeeze %dma_wait3A_203 : memref<1x128x128xf32, #tpu.memory_space<hbm>> -> memref<128x128xf32, #tpu.memory_space<hbm>>
    %dma_wait3A_205 = arith.constant 0 : i32
    %dma_wait3A_206 = tpu.memref_slice %arg4[%select_n3A, %add3A_144, %dma_wait3A_205] : memref<4x8192x128xf32, #tpu.memory_space<hbm>> -> memref<1x128x128xf32, #tpu.memory_space<hbm>>
    %dma_wait3A_207 = tpu.memref_squeeze %dma_wait3A_206 : memref<1x128x128xf32, #tpu.memory_space<hbm>> -> memref<128x128xf32, #tpu.memory_space<hbm>>
    tpu.wait_dma2 semaphore(%arg23 : memref<!tpu.dma_semaphore, #tpu.memory_space<semaphore_mem>>) src(%arg11 : memref<128x128xf32, #tpu.memory_space<vmem>>) dst(%dma_wait3A_207 : memref<128x128xf32, #tpu.memory_space<hbm>>)
    %dma_wait3A_208 = arith.constant 0 : i32
    %dma_wait3A_209 = tpu.memref_slice %arg4[%select_n3A, %add3A_157, %dma_wait3A_208] : memref<4x8192x128xf32, #tpu.memory_space<hbm>> -> memref<1x128x128xf32, #tpu.memory_space<hbm>>
    %dma_wait3A_210 = tpu.memref_squeeze %dma_wait3A_209 : memref<1x128x128xf32, #tpu.memory_space<hbm>> -> memref<128x128xf32, #tpu.memory_space<hbm>>
    %dma_wait3A_211 = arith.constant 0 : i32
    %dma_wait3A_212 = tpu.memref_slice %arg4[%select_n3A, %add3A_157, %dma_wait3A_211] : memref<4x8192x128xf32, #tpu.memory_space<hbm>> -> memref<1x128x128xf32, #tpu.memory_space<hbm>>
    %dma_wait3A_213 = tpu.memref_squeeze %dma_wait3A_212 : memref<1x128x128xf32, #tpu.memory_space<hbm>> -> memref<128x128xf32, #tpu.memory_space<hbm>>
    tpu.wait_dma2 semaphore(%arg24 : memref<!tpu.dma_semaphore, #tpu.memory_space<semaphore_mem>>) src(%arg12 : memref<128x128xf32, #tpu.memory_space<vmem>>) dst(%dma_wait3A_213 : memref<128x128xf32, #tpu.memory_space<hbm>>)
    %dma_wait3A_214 = arith.constant 0 : i32
    %dma_wait3A_215 = tpu.memref_slice %arg4[%select_n3A, %add3A_170, %dma_wait3A_214] : memref<4x8192x128xf32, #tpu.memory_space<hbm>> -> memref<1x128x128xf32, #tpu.memory_space<hbm>>
    %dma_wait3A_216 = tpu.memref_squeeze %dma_wait3A_215 : memref<1x128x128xf32, #tpu.memory_space<hbm>> -> memref<128x128xf32, #tpu.memory_space<hbm>>
    %dma_wait3A_217 = arith.constant 0 : i32
    %dma_wait3A_218 = tpu.memref_slice %arg4[%select_n3A, %add3A_170, %dma_wait3A_217] : memref<4x8192x128xf32, #tpu.memory_space<hbm>> -> memref<1x128x128xf32, #tpu.memory_space<hbm>>
    %dma_wait3A_219 = tpu.memref_squeeze %dma_wait3A_218 : memref<1x128x128xf32, #tpu.memory_space<hbm>> -> memref<128x128xf32, #tpu.memory_space<hbm>>
    tpu.wait_dma2 semaphore(%arg19 : memref<!tpu.dma_semaphore, #tpu.memory_space<semaphore_mem>>) src(%arg7 : memref<128x128xf32, #tpu.memory_space<vmem>>) dst(%dma_wait3A_219 : memref<128x128xf32, #tpu.memory_space<hbm>>)
    %dma_wait3A_220 = arith.constant 0 : i32
    %dma_wait3A_221 = tpu.memref_slice %arg4[%select_n3A, %add3A_183, %dma_wait3A_220] : memref<4x8192x128xf32, #tpu.memory_space<hbm>> -> memref<1x128x128xf32, #tpu.memory_space<hbm>>
    %dma_wait3A_222 = tpu.memref_squeeze %dma_wait3A_221 : memref<1x128x128xf32, #tpu.memory_space<hbm>> -> memref<128x128xf32, #tpu.memory_space<hbm>>
    %dma_wait3A_223 = arith.constant 0 : i32
    %dma_wait3A_224 = tpu.memref_slice %arg4[%select_n3A, %add3A_183, %dma_wait3A_223] : memref<4x8192x128xf32, #tpu.memory_space<hbm>> -> memref<1x128x128xf32, #tpu.memory_space<hbm>>
    %dma_wait3A_225 = tpu.memref_squeeze %dma_wait3A_224 : memref<1x128x128xf32, #tpu.memory_space<hbm>> -> memref<128x128xf32, #tpu.memory_space<hbm>>
    tpu.wait_dma2 semaphore(%arg20 : memref<!tpu.dma_semaphore, #tpu.memory_space<semaphore_mem>>) src(%arg8 : memref<128x128xf32, #tpu.memory_space<vmem>>) dst(%dma_wait3A_225 : memref<128x128xf32, #tpu.memory_space<hbm>>)
    return
  }
}

</mosaic_0001>

<sc_bundles>
// kernel: kernel.3.cloned.1.call-start
scs
__scs_entry_jumppad:
0x0: {  	(pc) =	sbr.rel $0x88, $3  }
0x1: {  	(tag) =	ssettag $0x0;
	lr =	simm.s32 $0x1  }
0x2: {  	[smem:$0x3F9F] =	sst lr;
	_ =	strace $0xD0000000  }
0x3: {  	_ = 	snop  }
0x4: {  	_ = 	snop  }
0x5: {  	_ = 	snop  }
0x6: {  	_ = 	snop  }
0x7: {  	_ = 	snop  }
__scs_overlays_trampoline_lowered:
0x8: {  	[smem:$0x3FAE] =	sst s0  }
0x9: {  	[smem:$0x3FAF] =	sst s1  }
0xa: {  	[smem:$0x3FB0] =	sst s2  }
0xb: {  	[smem:$0x3FB1] =	sst s3  }
0xc: {  	[smem:$0x3FB2] =	sst s4  }
0xd: {  	[smem:$0x3FB3] =	sst s5  }
0xe: {  	[smem:$0x3FB4] =	sst s6  }
0xf: {  	[smem:$0x3FB5] =	sst s7  }
0x10: {  	[smem:$0x3FB6] =	sst s8  }
0x11: {  	[smem:$0x3FB7] =	sst s9;
	s0 =	simm.s32 @!p0 $0x0  }
0x12: {  	s1 =	sld [smem:$0x3F9D];
	s0 =	simm.s32 @p0 $0x1  }
0x13: {  	[smem:$0x3FB8] =	sst s0;
	s0 =	simm.s32 @!p1 $0x0  }
0x14: {  	s2 =	sld [smem:$0x3F9C];
	s0 =	simm.s32 @p1 $0x1  }
0x15: {  	[smem:$0x3FB9] =	sst s0;
	s0 =	simm.s32 @!p2 $0x0  }
0x16: {  	s3 =	sld [smem:$0x3FDB];
	s0 =	simm.s32 @p2 $0x1  }
0x17: {  	s4 =	simm.s32 $0x1BF5;
	[smem:$0x3FBB] =	sst s0  }
0x18: {  	s0 =	sld [smem:$0x3F9E];
	_ =	swait.ge [sflag:s4], $0x0  }
0x19: {  	s7 =	sld [smem:$0x3F9F]  }
0x1a: {  	s8 =	sadd.s32 $0xFFFFE003, lr  }
0x1b: {  	s9 =	sadd.s32 $0xFFFFFEF7, lr;
	s5 =	simm.s32 $0xFFFFFFFF;
	p2 =	slt.u32 s8, $0xFFFFF086  }
0x1c: {  	p1 =	slt.u32 s9, $0xF7A;
	s5 =	simm.s32 @!p2 $0x0  }
0x1d: {  	s5 =	simm.s32 @p1 $0x1;
	p0 =	seq.s32 s7, s2  }
0x1e: {  	s7 =	smul.u32 @!p0 $0xF7A, s2;
	p2 =	seq.s32 @!p0 s5, $0x0  }
0x1f: {  	s9 =	smul.u32 $0xF7A, s1;
	s8 =	simm.s32 @!p0 $0x1BF5;
	p2 =	por !p2, p0  }
0x20: {  	[sflag:s8] =	ssyncset.s32 @!p0 $0xFFFFF086;
	s6 =	sadd.s32 @!p0 s3, s7;
	s7 =	simm.s32 @!p0 $0x108  }
0x21: {  	s3 =	sadd.s32 s3, s9;
	s6 =	sadd.s32 @!p0 $0x88, s6;
	s7 =	simm.s32 @p2 $0x1082  }
0x22: {  	[simem:s7], [sflag:s8] =	dma.local @!p0 [hbm:s6], $0xF7A  }
0x23: {  	s9 =	sor.u32 $0xD0000000, s2;
	s6 =	simm.s32 $0x108;
	_ =	swait.ge @!p0 [sflag:s8], $0x0  }
0x24: {  	s3 =	sadd.s32 $0x88, s3;
	s6 =	simm.s32 @!p1 $0x1082;
	[sflag:s4] =	ssyncset.s32 $0xFFFFF086  }
0x25: {  	[simem:s6], [sflag:s4] =	dma.local [hbm:s3], $0xF7A  }
0x26: {  	[smem:$0x3F9F] =	sst s1;
	(tag) =	ssettag s2;
	_ =	strace s9  }
0x27: {  	s1 =	sld [smem:$0x3FAF]  }
0x28: {  	s2 =	sld [smem:$0x3FB0]  }
0x29: {  	s4 =	sld [smem:$0x3FB2]  }
0x2a: {  	p0 =	seq.s32 s5, $0x0;
	s5 =	sld [smem:$0x3FB3]  }
0x2b: {  	s6 =	sld [smem:$0x3FB4]  }
0x2c: {  	s7 =	sld [smem:$0x3FB5]  }
0x2d: {  	s3 =	simm.s32 $0x108;
	s8 =	sld [smem:$0x3FB6]  }
0x2e: {  	s3 =	simm.s32 @!p0 $0x1082;
	s9 =	sld [smem:$0x3FB7]  }
0x2f: {  	lr =	sadd.s32 s0, s3;
	s0 =	sld [smem:$0x3FAE]  }
0x30: {  	s3 =	sld [smem:$0x3FB1]  }
0x31: {  	[smem:$0x3FBA] =	sst s10  }
0x32: {  	s10 =	sld [smem:$0x3FB8];
	_ =	sdelay $0x3  }
0x33: {  	p0 =	seq.s32 s10, $0x1;
	s10 =	sld [smem:$0x3FBA];
	_ =	sdelay $0x3  }
0x34: {  	[smem:$0x3FBA] =	sst s10  }
0x35: {  	s10 =	sld [smem:$0x3FB9];
	_ =	sdelay $0x3  }
0x36: {  	p1 =	seq.s32 s10, $0x1;
	s10 =	sld [smem:$0x3FBA];
	_ =	sdelay $0x3  }
0x37: {  	[smem:$0x3FBA] =	sst s10  }
0x38: {  	s10 =	sld [smem:$0x3FBB]  }
0x39: {  	_ = 	snop;
	(pc) =	sbr.ind lr, $3  }
0x3a: {  	_ = 	snop  }
0x3b: {  	_ = 	snop  }
0x3c: {  	p2 =	seq.s32 s10, $0x1;
	s10 =	sld [smem:$0x3FBA]  }
0x3d: {  	_ =	shalt  }
0x3e: {  	_ =	shalt  }
0x3f: {  	_ =	shalt  }
0x40: {  	_ =	shalt  }
0x41: {  	_ =	shalt  }
0x42: {  	_ =	shalt  }
0x43: {  	_ =	shalt  }
0x44: {  	_ =	shalt  }
0x45: {  	_ =	shalt  }
0x46: {  	_ =	shalt  }
0x47: {  	_ =	shalt  }
0x48: {  	_ =	shalt  }
0x49: {  	_ =	shalt  }
0x4a: {  	_ =	shalt  }
0x4b: {  	_ =	shalt  }
0x4c: {  	_ =	shalt  }
0x4d: {  	_ =	shalt  }
0x4e: {  	_ =	shalt  }
0x4f: {  	_ =	shalt  }
0x50: {  	_ =	shalt  }
0x51: {  	_ =	shalt  }
0x52: {  	_ =	shalt  }
0x53: {  	_ =	shalt  }
0x54: {  	_ =	shalt  }
0x55: {  	_ =	shalt  }
0x56: {  	_ =	shalt  }
0x57: {  	_ =	shalt  }
0x58: {  	_ =	shalt  }
0x59: {  	_ =	shalt  }
0x5a: {  	_ =	shalt  }
0x5b: {  	_ =	shalt  }
0x5c: {  	_ =	shalt  }
0x5d: {  	_ =	shalt  }
0x5e: {  	_ =	shalt  }
0x5f: {  	_ =	shalt  }
0x60: {  	_ =	shalt  }
0x61: {  	_ =	shalt  }
0x62: {  	_ =	shalt  }
0x63: {  	_ =	shalt  }
0x64: {  	_ =	shalt  }
0x65: {  	_ =	shalt  }
0x66: {  	_ =	shalt  }
0x67: {  	_ =	shalt  }
0x68: {  	_ =	shalt  }
0x69: {  	_ =	shalt  }
0x6a: {  	_ =	shalt  }
0x6b: {  	_ =	shalt  }
0x6c: {  	_ =	shalt  }
0x6d: {  	_ =	shalt  }
0x6e: {  	_ =	shalt  }
0x6f: {  	_ =	shalt  }
0x70: {  	_ =	shalt  }
0x71: {  	_ =	shalt  }
0x72: {  	_ =	shalt  }
0x73: {  	_ =	shalt  }
0x74: {  	_ =	shalt  }
0x75: {  	_ =	shalt  }
0x76: {  	_ =	shalt  }
0x77: {  	_ =	shalt  }
0x78: {  	_ =	shalt  }
0x79: {  	_ =	shalt  }
0x7a: {  	_ =	shalt  }
0x7b: {  	_ =	shalt  }
0x7c: {  	_ =	shalt  }
0x7d: {  	_ =	shalt  }
0x7e: {  	_ =	shalt  }
0x7f: {  	_ =	shalt  }
0x80: {  	_ =	shalt  }
0x81: {  	_ =	shalt  }
0x82: {  	_ =	shalt  }
0x83: {  	_ =	shalt  }
0x84: {  	_ =	shalt  }
0x85: {  	_ =	shalt  }
0x86: {  	_ =	shalt  }
0x87: {  	_ =	shalt  }
.Lfunc_end0:
.L_simem_size_0:
called_computation_lowered:
.L_overlay_start_0:
0x88: {  	s2 =	sld [smem:$0x3FD9]  }
0x89: {  	s3 =	sld [smem:$0x3FFE];
	_ =	sdelay $0x1  }
0x8a: {  	s1 =	srdreg.scid  }
0x8b: {  	s0 =	sand.u32 $0x1, s1  }
0x8c: {  	s18 =	sshll.u32 s0, $0xA;
	s2 =	sadd.s32 s3, s2  }
0x8d: {  	s2 =	sadd.s32 s2, s18  }
0x8e: {  	[smem:$0x3FC6] =	sst s2  }
0x8f: {  	_ = 	snop  }
0x90: {  	s2 =	sld [smem:$0x3FC9]  }
0x91: {  	s19 =	sld [smem:$0x3FC8]  }
0x92: {  	s4 =	sld [smem:$0x3FD0];
	(tm) =	ssettm $0x1  }
0x93: {  	s5 =	sld [smem:$0x3FFB];
	_ =	sdelay $0x3  }
0x94: {  	_ =	strace s5  }
0x95: {  	s5 =	sld [smem:$0x3FFC];
	_ =	sdelay $0x3  }
0x96: {  	_ =	strace s5  }
0x97: {  	s5 =	sld [smem:$0x3FFD];
	_ =	sdelay $0x3  }
0x98: {  	_ =	strace s5  }
0x99: {  	_ =	strace $0x8FFFFFFF  }
0x9a: {  	s20 =	sld [smem:$0x3FDB];
	_ =	sdelay $0x1  }
0x9b: {  	s6 =	simm.s32 $_scs_section_size  }
0x9c: {  	s7 =	simm.s32 $_size__tile_overlayer_lowered;
	s8 =	simm.s32 $_tile_overlayer_lowered  }
0x9d: {  	s23 =	simm.s32 $0x1BFF;
	s22 =	sshll.u32 s8, $0x1;
	s5 =	sadd.s32 s6, s20  }
0x9e: {  	s9 =	simm.s32 $0x0;
	s21 =	sshll.u32 s7, $0x1;
	s7 =	sadd.s32 s22, s5  }
0x9f: {  	[timem:s9], [sflag:s23] =	dma.local [hbm:s7], s21  }
0xa0: {  	_ =	swait.ge [sflag:s23], s21  }
0xa1: {  	s6 =	ssub.s32 $0x0, s21;
	[sflag:s23] =	ssyncset.done $0x0  }
0xa2: {  	[sflag:s23] =	ssyncadd.s32 s6;
	_ =	sdelay $0x1  }
0xa3: {  	s24 =	simm.s32 $0x1B8B  }
0xa4: {  	_ =	swait.ge [sflag:s24], $0x1  }
0xa5: {  	[sflag:s24] =	ssyncset.done $0x0  }
0xa6: {  	s25 =	simm.s32 $0x1B8E;
	[sflag:s24] =	ssyncadd.s32 $0xFFFFFFFF  }
0xa7: {  	s26 =	simm.s32 $execute0_lowered;
	[smem:$0x3FD2] =	sst s25  }
0xa8: {  	s6 =	sshll.u32 s26, $0x1;
	_ =	strace $0x80000046;
	[dreg:$0x1] =	wrdreg $0xFFFFFFFF  }
0xa9: {  	s28 =	simm.s32 $_size_execute0_lowered;
	s5 =	sadd.s32 s5, s6;
	[dreg:$0x0] =	wrdreg $0x0  }
0xaa: {  	s6 =	sshll.u32 s28, $0x1;
	[dreg:$0x2] =	wrdreg s5  }
0xab: {  	[dreg:$0x3] =	wrdreg s6  }
0xac: {  	[dreg:$0x4] =	wrdreg $0xC0  }
0xad: {  	_ =	task [dreg:s9], $0x5FFFF  }
0xae: {  	[dreg:$0x1] =	wrdreg $0xFFFFFFFF  }
0xaf: {  	[dreg:$0x0] =	wrdreg $0x60  }
0xb0: {  	[dreg:$0x2] =	wrdreg s2  }
0xb1: {  	[dreg:$0x3] =	wrdreg s19  }
0xb2: {  	[dreg:$0x4] =	wrdreg s4  }
0xb3: {  	[dreg:$0x5] =	wrdreg $0x4000  }
0xb4: {  	[dreg:$0x6] =	wrdreg $0x9  }
0xb5: {  	_ =	task.clear_ibuf [dreg:s9], $0x7FFFF;
	_ =	strace $0x90000046  }
0xb6: {  	s29 =	simm.s32 $0x9;
	_ =	strace $0x80000048  }
0xb7: {  	_ =	swait.ge [sflag:s29], $0x1  }
0xb8: {  	[sflag:s29] =	ssyncadd.s32 $0xFFFFFFFF  }
0xb9: {  	_ =	strace $0x90000048  }
0xba: {  	_ =	sfence  }
0xbb: {  	s30 =	sld [smem:$0x0];
	_ =	sdelay $0x2  }
0xbc: {  	s31 =	sshll.u32 s1, $0xD;
	s1 =	sshrl.u32 s1, $0x2  }
0xbd: {  	s3 =	sand.u32 $0x4000, s31;
	s1 =	sadd.s32 s1, s30  }
0xbe: {  	s0 =	sor.u32 s3, s0;
	s1 =	sshll.u32 s1, $0x11  }
0xbf: {  	s0 =	sor.u32 s1, s0  }
0xc0: {  	s0 =	sadd.s32 $0x8F2B, s0  }
0xc1: {  	[sflag:s0] =	ssyncadd.remote.s32 $0x1  }
0xc2: {  	_ =	sfence.sel $0xFFFF  }
0xc3: {  	[dreg:$0x0] =	wrdreg $0xFFFFFFFF;
	(pc) =	sbr.abs _section_cstart, $3  }
0xc4: {  	[dreg:$0x1] =	wrdreg $0xFFFFFFFF  }
0xc5: {  	_ =	task.clear_ibuf [dreg:s9], $0x2FFFF;
	_ =	strace $0x9FFFFFFF  }
0xc6: {  	(tm) =	ssettm $0x7FFFFFFF  }
0xc7: {  	_ =	shalt  }
tec
execute0_lowered:
.L_overlay_start_1:
0x0: {  	(tag) =	ssettag $0x1  }
0x1: {  	s0 =	rddreg [dreg:$0x0]  }
0x2: {  	s1 =	rddreg [dreg:$0x1]  }
0x3: {  	s3 =	rddreg [dreg:$0x2]  }
0x4: {  	s2 =	rddreg [dreg:$0x3]  }
0x5: {  	s4 =	stileid.u32;
	s30 =	rddreg [dreg:$0x4]  }
0x6: {  	s5 =	srdreg.scid;
	s10 =	simm.s32 $0x80;
	s23 =	simm.s32 $0x200  }
0x7: {  	s28 =	simm.s32 $0xD;
	s29 =	simm.s32 $0x100;
	s31 =	simm.s32 $0x180  }
0x8: {  	s26 =	simm.s32 $0x280;
	s25 =	simm.s32 $0x3;
	s24 =	simm.s32 $0x300  }
0x9: {  	s22 =	simm.s32 $0x4;
	p1 =	por $0x0, $0x0;
	s11 =	simm.s32 $0xB  }
0xa: {  	[dreg:$0x5] =	wrdreg s1;
	s6 =	sshll.u32 s4, $0x1;
	s1 =	simm.s32 $0x0  }
0xb: {  	s5 =	sand.u32 $0x1, s5;
	s7 =	sshrl.u32 s4, $0x2;
	p0 =	sne.s32 s4, $0x0  }
0xc: {  	s4 =	simm.s32 $0x8;
	s6 =	sand.u32 $0x6, s6;
	[smem:$0x7FF] =	sst s1  }
0xd: {  	s9 =	sshll.u32 s7, $0x4;
	s7 =	sshll.u32 s7, $0x11;
	s16 =	ssub.s32 $0x2, s5  }
0xe: {  	s6 =	sor.u32 s5, s6;
	s0 =	sadd.s32 s0, s9;
	_ =	strace $0x80000047  }
0xf: {  	s5 =	sshrl.u32 s16, $0x1;
	[dreg:$0xf] =	wrdreg s29;
	s8 =	sshll.u32 s6, $0xE  }
0x10: {  	[dreg:$0x10] =	wrdreg s31;
	s6 =	sshll.u32 s6, $0x9;
	s7 =	sor.u32 s7, s8  }
0x11: {  	s9 =	simm.s32 $0xC;
	s0 =	sadd.s32 s6, s0;
	s13 =	sadd.s32 s3, s7  }
0x12: {  	s6 =	simm.s32 $0x26A8;
	[dreg:$0x6] =	wrdreg s0;
	s12 =	sadd.s32 $0x800, s13  }
0x13: {  	s8 =	simm.s32 $0x1;
	s14 =	sadd.s32 $0x1000, s13;
	[dreg:$0x7] =	wrdreg s12  }
0x14: {  	s3 =	ssub.s32 s16, s5;
	s15 =	sadd.s32 $0x1800, s13;
	[dreg:$0x8] =	wrdreg s14  }
0x15: {  	s5 =	simm.s32 $0x66A8;
	s17 =	sadd.s32 $0x2000, s13;
	[dreg:$0x9] =	wrdreg s15  }
0x16: {  	s18 =	sadd.s32 $0x2800, s13;
	s21 =	smax.u32 s3, $0x1;
	[dreg:$0xa] =	wrdreg s17  }
0x17: {  	s19 =	sadd.s32 $0x3000, s13;
	[dreg:$0xb] =	wrdreg s18;
	s21 =	sadd.s32 $0xFFFFFFFF, s21  }
0x18: {  	s20 =	sadd.s32 $0x3800, s13;
	[dreg:$0xc] =	wrdreg s19;
	p2 =	sne.s32 s21, $0x0  }
.Ltmp0:
0x19: {  	s3 =	sshrl.u32 @!p0 s2, $0x3;
	[dreg:$0xd] =	wrdreg s20;
	(pc) =	sbr.rel @!p2 .LBB2_1-.Ltmp0, $4  }
0x1a: {  	s16 =	simm.s32 $0x126A8;
	s7 =	simm.s32 $0x2;
	[dreg:$0xe] =	wrdreg s3  }
0x1b: {  	s20 =	simm.s32 $0xA6A8;
	s17 =	simm.s32 $0xE6A8;
	s15 =	simm.s32 $0x166A8  }
0x1c: {  	s3 =	simm.s32 $0x7;
	s19 =	simm.s32 $0x5;
	s18 =	simm.s32 $0x6  }
0x1d: {  	s12 =	simm.s32 $0x9;
	s14 =	simm.s32 $0xA;
	s0 =	rddreg [dreg:$0xe]  }
0x1e: {  	s31 =	rddreg [dreg:$0x5];
	s29 =	simm.s32 @!p0 $0x1C0D;
	s30 =	simm.s32 @!p0 $0xD  }
0x1f: {  	[spmem:s0], [sflag:s29] =	dma.local @!p0 [hbm:s31], $0x4550  }
0x20: {  	_ =	swait.ge @!p0 [sflag:s30], $0x4550  }
0x21: {  	[sflag:s30] =	ssyncset.done @!p0 $0x0  }
0x22: {  	s0 =	rddreg [dreg:$0x6];
	[sflag:s30] =	ssyncadd.s32 @!p0 $0xFFFFBAB0  }
0x23: {  	[tilespmem:s1], [sflag:$0xD] =	stream.strided.gather [hbm4b:s0+s10], $0x400, s23, s10, $0x38;
	[tilespmem:$0x1A6A8] =	vst v63  }
0x24: {  	_ =	swait.ge [sflag:s28], $0x400  }
0x25: {  	[sflag:s28] =	ssyncset.done $0x0  }
0x26: {  	[sflag:s28] =	ssyncadd.s32 $0xFFFFFC00  }
0x27: {  	[bflag:$0x0] =	sbarrier.arrive $0xFFFF  }
0x28: {  	[tilespmem:s6], [sflag:$0x1] =	stream.indirect.gather [spmem:s2], $0x80, s1, s10, $0xb8;
	[tilespmem:$0x1A6A8] =	vst v63  }
0x29: {  	_ = 	snop  }
0x2a: {  	[tilespmem:s5], [sflag:$0x2] =	stream.indirect.gather [spmem:s2], $0x80, s10, s10, $0xb8;
	[tilespmem:$0x1A6A8] =	vst v63  }
0x2b: {  	s0 =	rddreg [dreg:$0xf]  }
0x2c: {  	[tilespmem:s20], [sflag:$0x3] =	stream.indirect.gather [spmem:s2], $0x80, s0, s10, $0xb8;
	[tilespmem:$0x1A6A8] =	vst v63  }
0x2d: {  	s31 =	rddreg [dreg:$0x10]  }
0x2e: {  	[tilespmem:s17], [sflag:$0x4] =	stream.indirect.gather [spmem:s2], $0x80, s31, s10, $0xb8;
	[tilespmem:$0x1A6A8] =	vst v63  }
0x2f: {  	_ =	swait.ge [sflag:s8], $0x4000  }
0x30: {  	[sflag:s8] =	ssyncset.done $0x0  }
0x31: {  	[sflag:s8] =	ssyncadd.s32 $0xFFFFC000  }
0x32: {  	[hbm4b:s13+s1] =	stream.linear.scatter [tilespmem:s6], [sflag:$0x7], $0x4000, $0x38;
	[tilespmem:$0x1A6A8] =	vst v63  }
0x33: {  	_ = 	snop  }
0x34: {  	[tilespmem:s16], [sflag:$0x5] =	stream.indirect.gather [spmem:s2], $0x80, s23, s10, $0xb8;
	[tilespmem:$0x1A6A8] =	vst v63  }
0x35: {  	_ =	swait.ge [sflag:s7], $0x4000  }
0x36: {  	[sflag:s7] =	ssyncset.done $0x0  }
0x37: {  	s0 =	rddreg [dreg:$0x7];
	[sflag:s7] =	ssyncadd.s32 $0xFFFFC000  }
0x38: {  	[hbm4b:s0+s1] =	stream.linear.scatter [tilespmem:s5], [sflag:$0x8], $0x4000, $0x38;
	[tilespmem:$0x1A6A8] =	vst v63  }
0x39: {  	_ = 	snop  }
0x3a: {  	[tilespmem:s15], [sflag:$0x6] =	stream.indirect.gather [spmem:s2], $0x80, s26, s10, $0xb8;
	[tilespmem:$0x1A6A8] =	vst v63  }
0x3b: {  	_ =	swait.ge [sflag:s25], $0x4000  }
0x3c: {  	[sflag:s25] =	ssyncset.done $0x0  }
0x3d: {  	s0 =	rddreg [dreg:$0x8];
	[sflag:s25] =	ssyncadd.s32 $0xFFFFC000  }
0x3e: {  	[hbm4b:s0+s1] =	stream.linear.scatter [tilespmem:s20], [sflag:$0x9], $0x4000, $0x38;
	[tilespmem:$0x1A6A8] =	vst v63  }
0x3f: {  	_ =	swait.ge [sflag:s3], $0x4000  }
0x40: {  	[sflag:s3] =	ssyncset.done $0x0  }
0x41: {  	[sflag:s3] =	ssyncadd.s32 $0xFFFFC000  }
0x42: {  	[tilespmem:s6], [sflag:$0x1] =	stream.indirect.gather [spmem:s2], $0x80, s24, s10, $0xb8;
	[tilespmem:$0x1A6A8] =	vst v63  }
0x43: {  	_ =	swait.ge [sflag:s22], $0x4000  }
0x44: {  	[sflag:s22] =	ssyncset.done $0x0  }
0x45: {  	s0 =	rddreg [dreg:$0x9];
	[sflag:s22] =	ssyncadd.s32 $0xFFFFC000  }
0x46: {  	[hbm4b:s0+s1] =	stream.linear.scatter [tilespmem:s17], [sflag:$0xA], $0x4000, $0x38;
	[tilespmem:$0x1A6A8] =	vst v63  }
0x47: {  	_ =	swait.ge [sflag:s4], $0x4000  }
0x48: {  	[sflag:s4] =	ssyncset.done $0x0  }
0x49: {  	s0 =	simm.s32 $0x380;
	[sflag:s4] =	ssyncadd.s32 $0xFFFFC000  }
0x4a: {  	[tilespmem:s5], [sflag:$0x2] =	stream.indirect.gather [spmem:s2], $0x80, s0, s10, $0xb8;
	[tilespmem:$0x1A6A8] =	vst v63  }
0x4b: {  	_ =	swait.ge [sflag:s19], $0x4000  }
0x4c: {  	[sflag:s19] =	ssyncset.done $0x0  }
0x4d: {  	s0 =	rddreg [dreg:$0xa];
	[sflag:s19] =	ssyncadd.s32 $0xFFFFC000  }
0x4e: {  	[hbm4b:s0+s1] =	stream.linear.scatter [tilespmem:s16], [sflag:$0xB], $0x4000, $0x38;
	[tilespmem:$0x1A6A8] =	vst v63  }
0x4f: {  	_ =	swait.ge [sflag:s18], $0x4000  }
0x50: {  	[sflag:s18] =	ssyncset.done $0x0  }
0x51: {  	s0 =	rddreg [dreg:$0xb];
	[sflag:s18] =	ssyncadd.s32 $0xFFFFC000  }
0x52: {  	[hbm4b:s0+s1] =	stream.linear.scatter [tilespmem:s15], [sflag:$0xC], $0x4000, $0x38;
	[tilespmem:$0x1A6A8] =	vst v63  }
0x53: {  	_ =	swait.ge [sflag:s8], $0x4000  }
0x54: {  	[sflag:s8] =	ssyncset.done $0x0  }
0x55: {  	s0 =	rddreg [dreg:$0xc];
	[sflag:s8] =	ssyncadd.s32 $0xFFFFC000  }
0x56: {  	[hbm4b:s0+s1] =	stream.linear.scatter [tilespmem:s6], [sflag:$0x7], $0x4000, $0x38;
	[tilespmem:$0x1A6A8] =	vst v63  }
0x57: {  	_ =	swait.ge [sflag:s7], $0x4000  }
0x58: {  	[sflag:s7] =	ssyncset.done $0x0  }
0x59: {  	s0 =	rddreg [dreg:$0xd];
	[sflag:s7] =	ssyncadd.s32 $0xFFFFC000  }
0x5a: {  	[hbm4b:s0+s1] =	stream.linear.scatter [tilespmem:s5], [sflag:$0x8], $0x4000, $0x38;
	[tilespmem:$0x1A6A8] =	vst v63  }
0x5b: {  	_ =	swait.ge [sflag:s12], $0x4000  }
0x5c: {  	[sflag:s12] =	ssyncset.done $0x0  }
0x5d: {  	[sflag:s12] =	ssyncadd.s32 $0xFFFFC000  }
0x5e: {  	_ =	swait.ge [sflag:s14], $0x4000  }
0x5f: {  	[sflag:s14] =	ssyncset.done $0x0  }
0x60: {  	[sflag:s14] =	ssyncadd.s32 $0xFFFFC000  }
0x61: {  	_ =	swait.ge [sflag:s11], $0x4000  }
0x62: {  	[sflag:s11] =	ssyncset.done $0x0  }
0x63: {  	[sflag:s11] =	ssyncadd.s32 $0xFFFFC000  }
0x64: {  	_ =	swait.ge [sflag:s9], $0x4000  }
0x65: {  	s31 =	sadd.s32 $0xFFFFFFFF, s21;
	[sflag:s9] =	ssyncset.done $0x0  }
0x66: {  	p2 =	sne.s32 s31, $0x0;
	[sflag:s9] =	ssyncadd.s32 $0xFFFFC000  }
.Ltmp1:
0x67: {  	_ =	swait.ge [sflag:s3], $0x4000;
	(pc) =	sbr.rel @!p2 .LBB2_3-.Ltmp1, $4  }
0x68: {  	[sflag:s3] =	ssyncset.done $0x0  }
0x69: {  	[sflag:s3] =	ssyncadd.s32 $0xFFFFC000  }
0x6a: {  	_ =	swait.ge [sflag:s4], $0x4000  }
0x6b: {  	p1 =	por $0x1, $0x1;
	s0 =	rddreg [dreg:$0xe];
	[sflag:s4] =	ssyncset.done $0x0  }
.LBB2_4:
0x6c: {  	s21 =	rddreg [dreg:$0x5];
	[sflag:s4] =	ssyncadd.s32 $0xFFFFC000  }
0x6d: {  	[spmem:s0], [sflag:s29] =	dma.local @!p0 [hbm:s21], $0x4550  }
0x6e: {  	_ =	swait.ge @!p0 [sflag:s30], $0x4550  }
0x6f: {  	[sflag:s30] =	ssyncset.done @!p0 $0x0  }
0x70: {  	s21 =	rddreg [dreg:$0x6];
	[sflag:s30] =	ssyncadd.s32 @!p0 $0xFFFFBAB0  }
0x71: {  	[tilespmem:s1], [sflag:$0xD] =	stream.strided.gather [hbm4b:s21+s10], $0x400, s23, s10, $0x38;
	[tilespmem:$0x1A6A8] =	vst v63  }
0x72: {  	_ =	swait.ge [sflag:s28], $0x400  }
0x73: {  	[sflag:s28] =	ssyncset.done $0x0  }
0x74: {  	[sflag:s28] =	ssyncadd.s32 $0xFFFFFC00  }
0x75: {  	[bflag:$0x0] =	sbarrier.arrive $0xFFFF  }
0x76: {  	[tilespmem:s6], [sflag:$0x1] =	stream.indirect.gather [spmem:s2], $0x80, s1, s10, $0xb8;
	[tilespmem:$0x1A6A8] =	vst v63  }
0x77: {  	_ = 	snop  }
0x78: {  	[tilespmem:s5], [sflag:$0x2] =	stream.indirect.gather [spmem:s2], $0x80, s10, s10, $0xb8;
	[tilespmem:$0x1A6A8] =	vst v63  }
0x79: {  	s0 =	rddreg [dreg:$0xf]  }
0x7a: {  	[tilespmem:s20], [sflag:$0x3] =	stream.indirect.gather [spmem:s2], $0x80, s0, s10, $0xb8;
	[tilespmem:$0x1A6A8] =	vst v63  }
0x7b: {  	s21 =	rddreg [dreg:$0x10]  }
0x7c: {  	[tilespmem:s17], [sflag:$0x4] =	stream.indirect.gather [spmem:s2], $0x80, s21, s10, $0xb8;
	[tilespmem:$0x1A6A8] =	vst v63  }
0x7d: {  	_ =	swait.ge [sflag:s8], $0x4000  }
0x7e: {  	[sflag:s8] =	ssyncset.done $0x0  }
0x7f: {  	[sflag:s8] =	ssyncadd.s32 $0xFFFFC000  }
0x80: {  	[hbm4b:s13+s1] =	stream.linear.scatter [tilespmem:s6], [sflag:$0x7], $0x4000, $0x38;
	[tilespmem:$0x1A6A8] =	vst v63  }
0x81: {  	_ = 	snop  }
0x82: {  	[tilespmem:s16], [sflag:$0x5] =	stream.indirect.gather [spmem:s2], $0x80, s23, s10, $0xb8;
	[tilespmem:$0x1A6A8] =	vst v63  }
0x83: {  	_ =	swait.ge [sflag:s7], $0x4000  }
0x84: {  	[sflag:s7] =	ssyncset.done $0x0  }
0x85: {  	s0 =	rddreg [dreg:$0x7];
	[sflag:s7] =	ssyncadd.s32 $0xFFFFC000  }
0x86: {  	[hbm4b:s0+s1] =	stream.linear.scatter [tilespmem:s5], [sflag:$0x8], $0x4000, $0x38;
	[tilespmem:$0x1A6A8] =	vst v63  }
0x87: {  	_ = 	snop  }
0x88: {  	[tilespmem:s15], [sflag:$0x6] =	stream.indirect.gather [spmem:s2], $0x80, s26, s10, $0xb8;
	[tilespmem:$0x1A6A8] =	vst v63  }
0x89: {  	_ =	swait.ge [sflag:s25], $0x4000  }
0x8a: {  	[sflag:s25] =	ssyncset.done $0x0  }
0x8b: {  	s0 =	rddreg [dreg:$0x8];
	[sflag:s25] =	ssyncadd.s32 $0xFFFFC000  }
0x8c: {  	[hbm4b:s0+s1] =	stream.linear.scatter [tilespmem:s20], [sflag:$0x9], $0x4000, $0x38;
	[tilespmem:$0x1A6A8] =	vst v63  }
0x8d: {  	_ =	swait.ge [sflag:s3], $0x4000  }
0x8e: {  	[sflag:s3] =	ssyncset.done $0x0  }
0x8f: {  	[sflag:s3] =	ssyncadd.s32 $0xFFFFC000  }
0x90: {  	[tilespmem:s6], [sflag:$0x1] =	stream.indirect.gather [spmem:s2], $0x80, s24, s10, $0xb8;
	[tilespmem:$0x1A6A8] =	vst v63  }
0x91: {  	_ =	swait.ge [sflag:s22], $0x4000  }
0x92: {  	[sflag:s22] =	ssyncset.done $0x0  }
0x93: {  	s0 =	rddreg [dreg:$0x9];
	[sflag:s22] =	ssyncadd.s32 $0xFFFFC000  }
0x94: {  	[hbm4b:s0+s1] =	stream.linear.scatter [tilespmem:s17], [sflag:$0xA], $0x4000, $0x38;
	[tilespmem:$0x1A6A8] =	vst v63  }
0x95: {  	_ =	swait.ge [sflag:s4], $0x4000  }
0x96: {  	[sflag:s4] =	ssyncset.done $0x0  }
0x97: {  	s21 =	simm.s32 $0x380;
	[sflag:s4] =	ssyncadd.s32 $0xFFFFC000  }
0x98: {  	[tilespmem:s5], [sflag:$0x2] =	stream.indirect.gather [spmem:s2], $0x80, s21, s10, $0xb8;
	[tilespmem:$0x1A6A8] =	vst v63  }
0x99: {  	_ =	swait.ge [sflag:s19], $0x4000  }
0x9a: {  	[sflag:s19] =	ssyncset.done $0x0  }
0x9b: {  	s21 =	rddreg [dreg:$0xa];
	[sflag:s19] =	ssyncadd.s32 $0xFFFFC000  }
0x9c: {  	[hbm4b:s21+s1] =	stream.linear.scatter [tilespmem:s16], [sflag:$0xB], $0x4000, $0x38;
	[tilespmem:$0x1A6A8] =	vst v63  }
0x9d: {  	_ =	swait.ge [sflag:s18], $0x4000  }
0x9e: {  	[sflag:s18] =	ssyncset.done $0x0  }
0x9f: {  	s21 =	rddreg [dreg:$0xb];
	[sflag:s18] =	ssyncadd.s32 $0xFFFFC000  }
0xa0: {  	[hbm4b:s21+s1] =	stream.linear.scatter [tilespmem:s15], [sflag:$0xC], $0x4000, $0x38;
	[tilespmem:$0x1A6A8] =	vst v63  }
0xa1: {  	_ =	swait.ge [sflag:s8], $0x4000  }
0xa2: {  	[sflag:s8] =	ssyncset.done $0x0  }
0xa3: {  	s21 =	rddreg [dreg:$0xc];
	[sflag:s8] =	ssyncadd.s32 $0xFFFFC000  }
0xa4: {  	[hbm4b:s21+s1] =	stream.linear.scatter [tilespmem:s6], [sflag:$0x7], $0x4000, $0x38;
	[tilespmem:$0x1A6A8] =	vst v63  }
0xa5: {  	_ =	swait.ge [sflag:s7], $0x4000  }
0xa6: {  	[sflag:s7] =	ssyncset.done $0x0  }
0xa7: {  	s21 =	rddreg [dreg:$0xd];
	[sflag:s7] =	ssyncadd.s32 $0xFFFFC000  }
0xa8: {  	[hbm4b:s21+s1] =	stream.linear.scatter [tilespmem:s5], [sflag:$0x8], $0x4000, $0x38;
	[tilespmem:$0x1A6A8] =	vst v63  }
0xa9: {  	_ =	swait.ge [sflag:s12], $0x4000  }
0xaa: {  	[sflag:s12] =	ssyncset.done $0x0  }
0xab: {  	[sflag:s12] =	ssyncadd.s32 $0xFFFFC000  }
0xac: {  	_ =	swait.ge [sflag:s14], $0x4000  }
0xad: {  	[sflag:s14] =	ssyncset.done $0x0  }
0xae: {  	[sflag:s14] =	ssyncadd.s32 $0xFFFFC000  }
0xaf: {  	_ =	swait.ge [sflag:s11], $0x4000  }
0xb0: {  	[sflag:s11] =	ssyncset.done $0x0  }
0xb1: {  	[sflag:s11] =	ssyncadd.s32 $0xFFFFC000  }
0xb2: {  	_ =	swait.ge [sflag:s9], $0x4000  }
0xb3: {  	s31 =	sadd.s32 $0xFFFFFFFF, s31;
	[sflag:s9] =	ssyncset.done $0x0  }
0xb4: {  	p2 =	sne.s32 s31, $0x0;
	[sflag:s9] =	ssyncadd.s32 $0xFFFFC000  }
.Ltmp2:
0xb5: {  	_ =	swait.ge [sflag:s3], $0x4000;
	(pc) =	sbr.rel @p2 .LBB2_4-.Ltmp2, $4  }
0xb6: {  	[sflag:s3] =	ssyncset.done $0x0  }
0xb7: {  	[sflag:s3] =	ssyncadd.s32 $0xFFFFC000  }
0xb8: {  	_ =	swait.ge [sflag:s4], $0x4000  }
0xb9: {  	s0 =	rddreg [dreg:$0xe];
	[sflag:s4] =	ssyncset.done $0x0  }
0xba: {  	s31 =	simm.s32 $0x380;
	s30 =	rddreg [dreg:$0x4]  }
.LBB2_6:
0xbb: {  	s21 =	rddreg [dreg:$0x5];
	[sflag:s4] =	ssyncadd.s32 @p1 $0xFFFFC000;
	s29 =	simm.s32 @!p0 $0x1C0D  }
0xbc: {  	[spmem:s0], [sflag:s29] =	dma.local @!p0 [hbm:s21], $0x4550  }
0xbd: {  	s0 =	simm.s32 @!p0 $0xD  }
0xbe: {  	_ =	swait.ge @!p0 [sflag:s0], $0x4550  }
0xbf: {  	[sflag:s0] =	ssyncset.done @!p0 $0x0  }
0xc0: {  	s29 =	rddreg [dreg:$0x6];
	[sflag:s0] =	ssyncadd.s32 @!p0 $0xFFFFBAB0  }
0xc1: {  	[tilespmem:s1], [sflag:$0xD] =	stream.strided.gather [hbm4b:s29+s10], $0x400, s23, s10, $0x38;
	[tilespmem:$0x1A6A8] =	vst v63  }
0xc2: {  	_ =	swait.ge [sflag:s28], $0x400  }
0xc3: {  	[sflag:s28] =	ssyncset.done $0x0  }
0xc4: {  	[sflag:s28] =	ssyncadd.s32 $0xFFFFFC00  }
0xc5: {  	[bflag:$0x0] =	sbarrier.arrive $0xFFFF  }
0xc6: {  	[tilespmem:s6], [sflag:$0x1] =	stream.indirect.gather [spmem:s2], $0x80, s1, s10, $0xb8;
	[tilespmem:$0x1A6A8] =	vst v63  }
0xc7: {  	_ = 	snop  }
0xc8: {  	[tilespmem:s5], [sflag:$0x2] =	stream.indirect.gather [spmem:s2], $0x80, s10, s10, $0xb8;
	[tilespmem:$0x1A6A8] =	vst v63  }
0xc9: {  	s28 =	rddreg [dreg:$0xf]  }
0xca: {  	[tilespmem:s20], [sflag:$0x3] =	stream.indirect.gather [spmem:s2], $0x80, s28, s10, $0xb8;
	[tilespmem:$0x1A6A8] =	vst v63  }
0xcb: {  	s29 =	rddreg [dreg:$0x10]  }
0xcc: {  	[tilespmem:s17], [sflag:$0x4] =	stream.indirect.gather [spmem:s2], $0x80, s29, s10, $0xb8;
	[tilespmem:$0x1A6A8] =	vst v63  }
0xcd: {  	_ =	swait.ge [sflag:s8], $0x4000  }
0xce: {  	[sflag:s8] =	ssyncset.done $0x0  }
0xcf: {  	[sflag:s8] =	ssyncadd.s32 $0xFFFFC000  }
0xd0: {  	[hbm4b:s13+s1] =	stream.linear.scatter [tilespmem:s6], [sflag:$0x7], $0x4000, $0x38;
	[tilespmem:$0x1A6A8] =	vst v63  }
0xd1: {  	_ = 	snop  }
0xd2: {  	[tilespmem:s16], [sflag:$0x5] =	stream.indirect.gather [spmem:s2], $0x80, s23, s10, $0xb8;
	[tilespmem:$0x1A6A8] =	vst v63  }
0xd3: {  	_ =	swait.ge [sflag:s7], $0x4000  }
0xd4: {  	[sflag:s7] =	ssyncset.done $0x0  }
0xd5: {  	s21 =	rddreg [dreg:$0x7];
	[sflag:s7] =	ssyncadd.s32 $0xFFFFC000  }
0xd6: {  	[hbm4b:s21+s1] =	stream.linear.scatter [tilespmem:s5], [sflag:$0x8], $0x4000, $0x38;
	[tilespmem:$0x1A6A8] =	vst v63  }
0xd7: {  	_ = 	snop  }
0xd8: {  	[tilespmem:s15], [sflag:$0x6] =	stream.indirect.gather [spmem:s2], $0x80, s26, s10, $0xb8;
	[tilespmem:$0x1A6A8] =	vst v63  }
0xd9: {  	_ =	swait.ge [sflag:s25], $0x4000  }
0xda: {  	[sflag:s25] =	ssyncset.done $0x0  }
0xdb: {  	s23 =	rddreg [dreg:$0x8];
	[sflag:s25] =	ssyncadd.s32 $0xFFFFC000  }
0xdc: {  	[hbm4b:s23+s1] =	stream.linear.scatter [tilespmem:s20], [sflag:$0x9], $0x4000, $0x38;
	[tilespmem:$0x1A6A8] =	vst v63  }
0xdd: {  	_ =	swait.ge [sflag:s3], $0x4000  }
0xde: {  	[sflag:s3] =	ssyncset.done $0x0  }
0xdf: {  	[sflag:s3] =	ssyncadd.s32 $0xFFFFC000  }
0xe0: {  	[tilespmem:s6], [sflag:$0x1] =	stream.indirect.gather [spmem:s2], $0x80, s24, s10, $0xb8;
	[tilespmem:$0x1A6A8] =	vst v63  }
0xe1: {  	_ =	swait.ge [sflag:s22], $0x4000  }
0xe2: {  	[sflag:s22] =	ssyncset.done $0x0  }
0xe3: {  	s25 =	rddreg [dreg:$0x9];
	[sflag:s22] =	ssyncadd.s32 $0xFFFFC000  }
0xe4: {  	[hbm4b:s25+s1] =	stream.linear.scatter [tilespmem:s17], [sflag:$0xA], $0x4000, $0x38;
	[tilespmem:$0x1A6A8] =	vst v63  }
0xe5: {  	_ =	swait.ge [sflag:s4], $0x4000  }
0xe6: {  	[sflag:s4] =	ssyncset.done $0x0  }
0xe7: {  	[sflag:s4] =	ssyncadd.s32 $0xFFFFC000  }
0xe8: {  	[tilespmem:s5], [sflag:$0x2] =	stream.indirect.gather [spmem:s2], $0x80, s31, s10, $0xb8;
	[tilespmem:$0x1A6A8] =	vst v63  }
0xe9: {  	_ =	swait.ge [sflag:s19], $0x4000  }
0xea: {  	[sflag:s19] =	ssyncset.done $0x0  }
0xeb: {  	s26 =	rddreg [dreg:$0xa];
	[sflag:s19] =	ssyncadd.s32 $0xFFFFC000  }
0xec: {  	[hbm4b:s26+s1] =	stream.linear.scatter [tilespmem:s16], [sflag:$0xB], $0x4000, $0x38;
	[tilespmem:$0x1A6A8] =	vst v63  }
0xed: {  	_ =	swait.ge [sflag:s18], $0x4000  }
0xee: {  	[sflag:s18] =	ssyncset.done $0x0  }
0xef: {  	s28 =	rddreg [dreg:$0xb];
	[sflag:s18] =	ssyncadd.s32 $0xFFFFC000  }
0xf0: {  	[hbm4b:s28+s1] =	stream.linear.scatter [tilespmem:s15], [sflag:$0xC], $0x4000, $0x38;
	[tilespmem:$0x1A6A8] =	vst v63  }
0xf1: {  	_ =	swait.ge [sflag:s8], $0x4000  }
0xf2: {  	[sflag:s8] =	ssyncset.done $0x0  }
0xf3: {  	s29 =	rddreg [dreg:$0xc];
	[sflag:s8] =	ssyncadd.s32 $0xFFFFC000  }
0xf4: {  	[hbm4b:s29+s1] =	stream.linear.scatter [tilespmem:s6], [sflag:$0x7], $0x4000, $0x38;
	[tilespmem:$0x1A6A8] =	vst v63  }
0xf5: {  	_ =	swait.ge [sflag:s7], $0x4000  }
0xf6: {  	[sflag:s7] =	ssyncset.done $0x0  }
0xf7: {  	s31 =	rddreg [dreg:$0xd];
	[sflag:s7] =	ssyncadd.s32 $0xFFFFC000  }
0xf8: {  	[hbm4b:s31+s1] =	stream.linear.scatter [tilespmem:s5], [sflag:$0x8], $0x4000, $0x38;
	[tilespmem:$0x1A6A8] =	vst v63  }
0xf9: {  	_ =	swait.ge [sflag:s12], $0x4000  }
0xfa: {  	[sflag:s12] =	ssyncset.done $0x0  }
0xfb: {  	[sflag:s12] =	ssyncadd.s32 $0xFFFFC000  }
0xfc: {  	_ =	swait.ge [sflag:s14], $0x4000  }
0xfd: {  	[sflag:s14] =	ssyncset.done $0x0  }
0xfe: {  	[sflag:s14] =	ssyncadd.s32 $0xFFFFC000  }
0xff: {  	_ =	swait.ge [sflag:s11], $0x4000  }
0x100: {  	[sflag:s11] =	ssyncset.done $0x0  }
0x101: {  	[sflag:s11] =	ssyncadd.s32 $0xFFFFC000  }
0x102: {  	_ =	swait.ge [sflag:s9], $0x4000  }
0x103: {  	[sflag:s9] =	ssyncset.done $0x0  }
0x104: {  	[sflag:s9] =	ssyncadd.s32 $0xFFFFC000  }
0x105: {  	_ =	swait.ge [sflag:s3], $0x4000  }
0x106: {  	[sflag:s3] =	ssyncset.done $0x0  }
0x107: {  	[sflag:s3] =	ssyncadd.s32 $0xFFFFC000  }
0x108: {  	_ =	swait.ge [sflag:s4], $0x4000  }
0x109: {  	[sflag:s4] =	ssyncset.done $0x0  }
0x10a: {  	[sflag:s4] =	ssyncadd.s32 $0xFFFFC000  }
0x10b: {  	_ =	sfence.sel $0x180000  }
0x10c: {  	[bflag:$0x0] =	sbarrier.arrive $0xFFFF  }
0x10d: {  	_ =	strace $0x90000047  }
0x10e: {  	s0 =	sadd.s32 @!p0 $0x100000, s30;
	[bflag:$0x2] =	sbarrier.arrive $0xFFFF  }
0x10f: {  	[sflag:s0] =	ssyncadd.tile.s32 @!p0 $0x1;
	_ =	shalt  }
.LBB2_1:
.Ltmp3:
0x110: {  	(pc) =	sbr.rel .LBB2_6-.Ltmp3, $2  }
0x111: {  	_ =	sdelay $0x2  }
0x112: {  	s31 =	simm.s32 $0x380  }
.LBB2_3:
.Ltmp4:
0x113: {  	(pc) =	sbr.rel .LBB2_6-.Ltmp4, $2  }
0x114: {  	_ =	sdelay $0x2  }
0x115: {  	s31 =	simm.s32 $0x380;
	s30 =	rddreg [dreg:$0x4]  }
.Lfunc_end2:
_tile_overlayer_lowered:
.L_overlay_start_2:
0x116: {  	(tag) =	ssettag $0x2  }
0x117: {  	s0 =	rddreg [dreg:$0x0];
	s2 =	stileid.u32  }
0x118: {  	s1 =	rddreg [dreg:$0x1];
	p0 =	sne.s32 s2, $0x0  }
0x119: {  	s3 =	rddreg [dreg:$0x2];
	[bflag:$0x3] =	sbarrier.arrive $0xFFFF;
	s2 =	simm.s32 @!p0 $0x1C0D  }
0x11a: {  	[timem:s3], [sflag:s2] =	dma.local @!p0 [hbm:s0], s1  }
0x11b: {  	s0 =	simm.s32 @!p0 $0xD  }
0x11c: {  	_ =	swait.ge @!p0 [sflag:s0], s1  }
0x11d: {  	s1 =	ssub.s32 @!p0 $0x0, s1;
	[sflag:s0] =	ssyncset.done @!p0 $0x0  }
0x11e: {  	[sflag:s0] =	ssyncadd.s32 @!p0 s1  }
0x11f: {  	[bflag:$0x3] =	sbarrier.arrive $0xFFFF  }
0x120: {  	_ =	shalt  }

</sc_bundles>
